<compile_context>
chip_gen: v7x
topology: tpu7x:2x2x1
jax: 0.10.2.dev20260603
libtpu: 0.0.44.dev20260713+nightly
codegen_flags: <defaults>
</compile_context>

<pallas_src>
import jax
import jax.numpy as jnp
from jax import lax
from jax.experimental import pallas as pl
from jax.experimental.pallas import tpu as pltpu
from jax.experimental.pallas import tpu_sc as plsc

N = 262144
TR, XR, YR = 600, 300, 300
NC, NS = 2, 16
NW = NC * NS
PW = N // NW
CH = 256
NCHUNK = PW // CH
GI = 128
NG = CH * 18 // GI
KFL = 6


def _body(t_hbm, x_hbm, y_hbm, a_hbm, b_hbm, out_hbm,
          t_v, x_v, y_v, idxa_v, idxb_v, off_v, sel_v,
          blka_v, blkb_v, out_v, sem):
    wid = lax.axis_index("s") * NC + lax.axis_index("c")
    lane = lax.iota(jnp.int32, 16)

    def chunk_body(g, _):
        p0 = wid * PW + g * CH
        pltpu.sync_copy(t_hbm.at[pl.ds(p0, CH)], t_v)
        pltpu.sync_copy(x_hbm.at[pl.ds(p0, CH)], x_v)
        pltpu.sync_copy(y_hbm.at[pl.ds(p0, CH)], y_v)

        def build_body(it, _):
            s = it * 16
            tv = t_v[pl.ds(s, 16)]
            xv = x_v[pl.ds(s, 16)]
            yv = y_v[pl.ds(s, 16)]
            ti = jnp.clip((tv * 599.0 + 0.5).astype(jnp.int32), 0, TR - 1)
            xi = jnp.clip((xv * 299.0 + 0.5).astype(jnp.int32), 0, XR - 1)
            yi = jnp.clip((yv * 299.0 + 0.5).astype(jnp.int32), 0, YR - 1)
            off_v[pl.ds(s, 16)] = ti & 7
            sel_v[pl.ds(s, 16)] = (ti < 512).astype(jnp.int32)
            ta = jnp.minimum(ti, 511)
            aa = (ta >> 7) * 2880000 + ((ta & 127) >> 3)
            bb = jnp.maximum(ti - 512, 0) >> 3
            rows = [jnp.maximum(xi - 1, 0) * YR,
                    xi * YR,
                    jnp.minimum(xi + 1, XR - 1) * YR]
            cols = [jnp.maximum(yi - 1, 0), yi, jnp.minimum(yi + 1, YR - 1)]
            sbase = (lane + s) * 18
            k = 0
            for r in rows:
                for c in cols:
                    xy = r + c
                    a0 = xy * 32 + aa
                    b0 = xy * 22 + bb
                    plsc.store_scatter(idxa_v, [sbase + 2 * k], a0)
                    plsc.store_scatter(idxa_v, [sbase + 2 * k + 1], a0 + 16)
                    plsc.store_scatter(idxb_v, [sbase + 2 * k], b0)
                    plsc.store_scatter(idxb_v, [sbase + 2 * k + 1], b0 + 11)
                    k += 1
            return 0

        lax.fori_loop(0, CH // 16, build_body, 0)

        def fire(r):
            pltpu.make_async_copy(
                a_hbm.at[idxa_v.at[pl.ds(r * GI, GI)]],
                blka_v.at[pl.ds(r * GI, GI)], sem).start()
            pltpu.make_async_copy(
                b_hbm.at[idxb_v.at[pl.ds(r * GI, GI)]],
                blkb_v.at[pl.ds(r * GI, GI)], sem).start()

        def drain(r):
            pltpu.make_async_copy(
                a_hbm.at[idxa_v.at[pl.ds(r * GI, GI)]],
                blka_v.at[pl.ds(r * GI, GI)], sem).wait()
            pltpu.make_async_copy(
                b_hbm.at[idxb_v.at[pl.ds(r * GI, GI)]],
                blkb_v.at[pl.ds(r * GI, GI)], sem).wait()

        for r in range(KFL):
            fire(r)

        def gat_body(r, _):
            fire(r + KFL)
            drain(r)
            return 0

        lax.fori_loop(0, NG - KFL, gat_body, 0)

        def drain_body(r, _):
            drain(r)
            return 0

        lax.fori_loop(NG - KFL, NG, drain_body, 0)

        def extract_body(it, _):
            s = it * 16
            pb = (lane + s) * 18
            off = off_v[pl.ds(s, 16)]
            m = sel_v[pl.ds(s, 16)] > 0
            for k in range(18):
                va = plsc.load_gather(blka_v, [pb + k, off])
                vb = plsc.load_gather(blkb_v, [pb + k, off])
                plsc.store_scatter(out_v, [pb + k], jnp.where(m, va, vb))
            return 0

        lax.fori_loop(0, CH // 16, extract_body, 0)

        pltpu.sync_copy(out_v, out_hbm.at[pl.ds(p0 * 18, CH * 18)])
        return 0

    lax.fori_loop(0, NCHUNK, chunk_body, 0)


def kernel(inputs, embeddings):
    t = inputs[:, 0]
    x = inputs[:, 1]
    y = inputs[:, 2]
    a = embeddings[:512].reshape(4, 128, XR, YR, 2)
    a = jnp.transpose(a, (0, 2, 3, 4, 1)).reshape(720000 * 16, 8)
    b = jnp.transpose(embeddings[512:], (1, 2, 3, 0)).reshape(180000 * 11, 8)
    run = pl.kernel(
        _body,
        out_type=jax.ShapeDtypeStruct((N * 18,), jnp.float32),
        mesh=plsc.VectorSubcoreMesh(core_axis_name="c", subcore_axis_name="s"),
        compiler_params=pltpu.CompilerParams(
            needs_layout_passes=False, use_tc_tiling_on_sc=False),
        scratch_types=[
            pltpu.VMEM((CH,), jnp.float32),
            pltpu.VMEM((CH,), jnp.float32),
            pltpu.VMEM((CH,), jnp.float32),
            pltpu.VMEM((CH * 18,), jnp.int32),
            pltpu.VMEM((CH * 18,), jnp.int32),
            pltpu.VMEM((CH,), jnp.int32),
            pltpu.VMEM((CH,), jnp.int32),
            pltpu.VMEM((CH * 18, 8), jnp.float32),
            pltpu.VMEM((CH * 18, 8), jnp.float32),
            pltpu.VMEM((CH * 18,), jnp.float32),
            pltpu.SemaphoreType.DMA,
        ],
    )
    out = run(t, x, y, a, b)
    return out.reshape(N, 18)

# --- scband reference (transcript-rebuilt; emitter-appended) ---
"""Pipeline reference for scband-sparse-grid-32177894981983 (READ-ONLY COPY).

The authoritative reference and input builder live on the scoring server;
editing this copy changes nothing except your own understanding.
"""

import jax, jax.numpy as jnp
import numpy as np

T_RES = 600
X_RES = 300
Y_RES = 300
LEVEL_DIM = 2
N_PTS = 262144


def setup_inputs(seed: int = 0) -> dict:
    key = jax.random.key(seed)
    k1, k2 = jax.random.split(key)
    inputs = jax.random.uniform(k1, (N_PTS, 3), dtype=jnp.float32)
    std = 0.0001
    embeddings = jax.random.uniform(
        k2, (T_RES, X_RES, Y_RES, LEVEL_DIM), dtype=jnp.float32,
        minval=-std, maxval=std)
    return {"inputs": inputs, "embeddings": embeddings}


def reference(inputs, embeddings):
    t_res, x_res, y_res = T_RES, X_RES, Y_RES
    t_coord = inputs[:, 0]
    t_coord_float = (t_res - 1) * t_coord
    t_coord_idx = (t_coord_float + 0.5).astype(jnp.int32)
    t_coord_idx = jnp.clip(t_coord_idx, 0, t_res - 1)
    x_coord = inputs[:, 1]
    x_coord_float = (x_res - 1) * x_coord
    x_coord_idx = (x_coord_float + 0.5).astype(jnp.int32)
    x_coord_idx = jnp.clip(x_coord_idx, 0, x_res - 1)
    y_coord = inputs[:, 2]
    y_coord_float = (y_res - 1) * y_coord
    y_coord_idx = (y_coord_float + 0.5).astype(jnp.int32)
    y_coord_idx = jnp.clip(y_coord_idx, 0, y_res - 1)
    feats = []
    unfold_list = [-1, 0, 1]
    for i in unfold_list:
        for j in unfold_list:
            vx = jnp.clip(x_coord_idx + i, 0, x_res - 1)
            vy = jnp.clip(y_coord_idx + j, 0, y_res - 1)
            feat = embeddings[t_coord_idx, vx, vy, :]
            feats.append(feat)
    grid_features = jnp.concatenate(feats, axis=1)
    return grid_features

if __name__ == "__main__":
    import jax
    _d = setup_inputs()
    print(jax.jit(kernel)(*tuple(_d.values())))

</pallas_src>

<mosaic_0001>
#map = affine_map<(d0, d1) -> (0)>
#map1 = affine_map<(d0, d1) -> (0, 0)>
module attributes {stable_mosaic.version = 14 : i64} {
  func.func @_body(%arg0: i32, %arg1: i32, %arg2: memref<262144xf32, #tpu.memory_space<hbm>>, %arg3: memref<262144xf32, #tpu.memory_space<hbm>>, %arg4: memref<262144xf32, #tpu.memory_space<hbm>>, %arg5: memref<11520000x8xf32, #tpu.memory_space<hbm>>, %arg6: memref<1980000x8xf32, #tpu.memory_space<hbm>>, %arg7: memref<4718592xf32, #tpu.memory_space<hbm>>, %arg8: memref<256xf32, #tpu.memory_space<vmem>>, %arg9: memref<256xf32, #tpu.memory_space<vmem>>, %arg10: memref<256xf32, #tpu.memory_space<vmem>>, %arg11: memref<4608xi32, #tpu.memory_space<vmem>>, %arg12: memref<4608xi32, #tpu.memory_space<vmem>>, %arg13: memref<256xi32, #tpu.memory_space<vmem>>, %arg14: memref<256xi32, #tpu.memory_space<vmem>>, %arg15: memref<4608x8xf32, #tpu.memory_space<vmem>>, %arg16: memref<4608x8xf32, #tpu.memory_space<vmem>>, %arg17: memref<4608xf32, #tpu.memory_space<vmem>>, %arg18: memref<!tpu.dma_semaphore, #tpu.memory_space<semaphore_mem>>) attributes {dimension_semantics = [#tpu.dimension_semantics<core_parallel>, #tpu.dimension_semantics<subcore_parallel>], iteration_bounds = array<i64: 2, 16>, scalar_prefetch = 0 : i64, scratch_operands = 11 : i64, tpu.core_type = #tpu.core_type<sc_vector_subcore>, window_params = [{transform_indices = #map}, {transform_indices = #map}, {transform_indices = #map}, {transform_indices = #map1}, {transform_indices = #map1}, {transform_indices = #map}]} {
    %mul3A = arith.constant 2 : i32
    %mul3A_0 = arith.muli %arg1, %mul3A : i32
    %add3A = arith.addi %mul3A_0, %arg0 : i32
    %iota3A = tpu.iota {dimensions = array<i32: 0>} : vector<16xi32>
    %scan3A = arith.constant 0 : i32
    %scan3A_1 = arith.constant 0 : i32
    %scan3A_2 = arith.constant 32 : i32
    %scan3A_3 = arith.addi %scan3A_1, %scan3A_2 : i32
    %scan3A_4 = arith.constant 1 : i32
    %scan3A_5 = scf.for %scan3A_7 = %scan3A_1 to %scan3A_3 step %scan3A_4 iter_args(%scan3A_8 = %scan3A) -> (i32)  : i32 {
      %mul3A_9 = arith.constant 8192 : i32
      %mul3A_10 = arith.muli %add3A, %mul3A_9 : i32
      %mul3A_11 = arith.constant 256 : i32
      %mul3A_12 = arith.muli %scan3A_7, %mul3A_11 : i32
      %add3A_13 = arith.addi %mul3A_10, %mul3A_12 : i32
      "tpu.region"() ({
        %run_scoped3A = tpu.sem_alloc : memref<!tpu.dma_semaphore, #tpu.memory_space<semaphore_mem>>
        %dma_start3A_140 = tpu.memref_slice %arg2[%add3A_13] : memref<262144xf32, #tpu.memory_space<hbm>> -> memref<256xf32, #tpu.memory_space<hbm>>
        %dma_start3A_141 = tpu.memref_slice %arg2[%add3A_13] : memref<262144xf32, #tpu.memory_space<hbm>> -> memref<256xf32, #tpu.memory_space<hbm>>
        tpu.enqueue_dma source(%dma_start3A_141 : memref<256xf32, #tpu.memory_space<hbm>>) target(%arg8 : memref<256xf32, #tpu.memory_space<vmem>>) target_semaphore(%run_scoped3A : memref<!tpu.dma_semaphore, #tpu.memory_space<semaphore_mem>>)
        %dma_wait3A = tpu.memref_slice %arg2[%add3A_13] : memref<262144xf32, #tpu.memory_space<hbm>> -> memref<256xf32, #tpu.memory_space<hbm>>
        %dma_wait3A_142 = tpu.memref_slice %arg2[%add3A_13] : memref<262144xf32, #tpu.memory_space<hbm>> -> memref<256xf32, #tpu.memory_space<hbm>>
        tpu.wait_dma2 semaphore(%run_scoped3A : memref<!tpu.dma_semaphore, #tpu.memory_space<semaphore_mem>>) src(%dma_wait3A_142 : memref<256xf32, #tpu.memory_space<hbm>>) dst(%arg8 : memref<256xf32, #tpu.memory_space<vmem>>)
        tpu.yield
      }) : () -> ()
      "tpu.region"() ({
        %run_scoped3A = tpu.sem_alloc : memref<!tpu.dma_semaphore, #tpu.memory_space<semaphore_mem>>
        %dma_start3A_140 = tpu.memref_slice %arg3[%add3A_13] : memref<262144xf32, #tpu.memory_space<hbm>> -> memref<256xf32, #tpu.memory_space<hbm>>
        %dma_start3A_141 = tpu.memref_slice %arg3[%add3A_13] : memref<262144xf32, #tpu.memory_space<hbm>> -> memref<256xf32, #tpu.memory_space<hbm>>
        tpu.enqueue_dma source(%dma_start3A_141 : memref<256xf32, #tpu.memory_space<hbm>>) target(%arg9 : memref<256xf32, #tpu.memory_space<vmem>>) target_semaphore(%run_scoped3A : memref<!tpu.dma_semaphore, #tpu.memory_space<semaphore_mem>>)
        %dma_wait3A = tpu.memref_slice %arg3[%add3A_13] : memref<262144xf32, #tpu.memory_space<hbm>> -> memref<256xf32, #tpu.memory_space<hbm>>
        %dma_wait3A_142 = tpu.memref_slice %arg3[%add3A_13] : memref<262144xf32, #tpu.memory_space<hbm>> -> memref<256xf32, #tpu.memory_space<hbm>>
        tpu.wait_dma2 semaphore(%run_scoped3A : memref<!tpu.dma_semaphore, #tpu.memory_space<semaphore_mem>>) src(%dma_wait3A_142 : memref<256xf32, #tpu.memory_space<hbm>>) dst(%arg9 : memref<256xf32, #tpu.memory_space<vmem>>)
        tpu.yield
      }) : () -> ()
      "tpu.region"() ({
        %run_scoped3A = tpu.sem_alloc : memref<!tpu.dma_semaphore, #tpu.memory_space<semaphore_mem>>
        %dma_start3A_140 = tpu.memref_slice %arg4[%add3A_13] : memref<262144xf32, #tpu.memory_space<hbm>> -> memref<256xf32, #tpu.memory_space<hbm>>
        %dma_start3A_141 = tpu.memref_slice %arg4[%add3A_13] : memref<262144xf32, #tpu.memory_space<hbm>> -> memref<256xf32, #tpu.memory_space<hbm>>
        tpu.enqueue_dma source(%dma_start3A_141 : memref<256xf32, #tpu.memory_space<hbm>>) target(%arg10 : memref<256xf32, #tpu.memory_space<vmem>>) target_semaphore(%run_scoped3A : memref<!tpu.dma_semaphore, #tpu.memory_space<semaphore_mem>>)
        %dma_wait3A = tpu.memref_slice %arg4[%add3A_13] : memref<262144xf32, #tpu.memory_space<hbm>> -> memref<256xf32, #tpu.memory_space<hbm>>
        %dma_wait3A_142 = tpu.memref_slice %arg4[%add3A_13] : memref<262144xf32, #tpu.memory_space<hbm>> -> memref<256xf32, #tpu.memory_space<hbm>>
        tpu.wait_dma2 semaphore(%run_scoped3A : memref<!tpu.dma_semaphore, #tpu.memory_space<semaphore_mem>>) src(%dma_wait3A_142 : memref<256xf32, #tpu.memory_space<hbm>>) dst(%arg10 : memref<256xf32, #tpu.memory_space<vmem>>)
        tpu.yield
      }) : () -> ()
      %scan3A_14 = arith.constant 0 : i32
      %scan3A_15 = arith.constant 0 : i32
      %scan3A_16 = arith.constant 16 : i32
      %scan3A_17 = arith.addi %scan3A_15, %scan3A_16 : i32
      %scan3A_18 = arith.constant 1 : i32
      %scan3A_19 = scf.for %scan3A_140 = %scan3A_15 to %scan3A_17 step %scan3A_18 iter_args(%scan3A_141 = %scan3A_14) -> (i32)  : i32 {
        %mul3A_142 = arith.constant 16 : i32
        %mul3A_143 = arith.muli %scan3A_140, %mul3A_142 : i32
        %get3A = arith.index_cast %mul3A_143 : i32 to index
        %get3A_144 = tpu.vector_load %arg8[%get3A] {strides = array<i32>} : memref<256xf32, #tpu.memory_space<vmem>>, vector<16xf32>,
        %get3A_145 = arith.index_cast %mul3A_143 : i32 to index
        %get3A_146 = tpu.vector_load %arg9[%get3A_145] {strides = array<i32>} : memref<256xf32, #tpu.memory_space<vmem>>, vector<16xf32>,
        %get3A_147 = arith.index_cast %mul3A_143 : i32 to index
        %get3A_148 = tpu.vector_load %arg10[%get3A_147] {strides = array<i32>} : memref<256xf32, #tpu.memory_space<vmem>>, vector<16xf32>,
        %mul3A_149 = arith.constant 5.990000e+02 : f32
        %mul3A_150 = vector.broadcast %mul3A_149 : f32 to vector<16xf32>
        %mul3A_151 = arith.mulf %get3A_144, %mul3A_150 : vector<16xf32>
        %add3A_152 = arith.constant 5.000000e-01 : f32
        %add3A_153 = vector.broadcast %add3A_152 : f32 to vector<16xf32>
        %add3A_154 = arith.addf %mul3A_151, %add3A_153 : vector<16xf32>
        %convert_element_type3A = arith.fptosi %add3A_154 : vector<16xf32> to vector<16xi32>
        %jit3A = arith.constant 0 : i32
        %jit3A_155 = arith.constant 599 : i32
        %max3A = vector.broadcast %jit3A : i32 to vector<16xi32>
        %max3A_156 = arith.maxsi %max3A, %convert_element_type3A : vector<16xi32>
        %min3A = vector.broadcast %jit3A_155 : i32 to vector<16xi32>
        %min3A_157 = arith.minsi %min3A, %max3A_156 : vector<16xi32>
        %mul3A_158 = arith.constant 2.990000e+02 : f32
        %mul3A_159 = vector.broadcast %mul3A_158 : f32 to vector<16xf32>
        %mul3A_160 = arith.mulf %get3A_146, %mul3A_159 : vector<16xf32>
        %add3A_161 = arith.constant 5.000000e-01 : f32
        %add3A_162 = vector.broadcast %add3A_161 : f32 to vector<16xf32>
        %add3A_163 = arith.addf %mul3A_160, %add3A_162 : vector<16xf32>
        %convert_element_type3A_164 = arith.fptosi %add3A_163 : vector<16xf32> to vector<16xi32>
        %jit3A_165 = arith.constant 0 : i32
        %jit3A_166 = arith.constant 299 : i32
        %max3A_167 = vector.broadcast %jit3A_165 : i32 to vector<16xi32>
        %max3A_168 = arith.maxsi %max3A_167, %convert_element_type3A_164 : vector<16xi32>
        %min3A_169 = vector.broadcast %jit3A_166 : i32 to vector<16xi32>
        %min3A_170 = arith.minsi %min3A_169, %max3A_168 : vector<16xi32>
        %mul3A_171 = arith.constant 2.990000e+02 : f32
        %mul3A_172 = vector.broadcast %mul3A_171 : f32 to vector<16xf32>
        %mul3A_173 = arith.mulf %get3A_148, %mul3A_172 : vector<16xf32>
        %add3A_174 = arith.constant 5.000000e-01 : f32
        %add3A_175 = vector.broadcast %add3A_174 : f32 to vector<16xf32>
        %add3A_176 = arith.addf %mul3A_173, %add3A_175 : vector<16xf32>
        %convert_element_type3A_177 = arith.fptosi %add3A_176 : vector<16xf32> to vector<16xi32>
        %jit3A_178 = arith.constant 0 : i32
        %jit3A_179 = arith.constant 299 : i32
        %max3A_180 = vector.broadcast %jit3A_178 : i32 to vector<16xi32>
        %max3A_181 = arith.maxsi %max3A_180, %convert_element_type3A_177 : vector<16xi32>
        %min3A_182 = vector.broadcast %jit3A_179 : i32 to vector<16xi32>
        %min3A_183 = arith.minsi %min3A_182, %max3A_181 : vector<16xi32>
        %and3A = arith.constant 7 : i32
        %and3A_184 = vector.broadcast %and3A : i32 to vector<16xi32>
        %and3A_185 = arith.andi %min3A_157, %and3A_184 : vector<16xi32>
        %swap3A = arith.index_cast %mul3A_143 : i32 to index
        %swap3A_186 = tpu.vector_load %arg13[%swap3A] {strides = array<i32>} : memref<256xi32, #tpu.memory_space<vmem>>, vector<16xi32>,
        tpu.vector_store %arg13[%swap3A], %and3A_185 {strides = array<i32>} : memref<256xi32, #tpu.memory_space<vmem>>, vector<16xi32>,
        %lt3A = arith.constant 512 : i32
        %lt3A_187 = vector.broadcast %lt3A : i32 to vector<16xi32>
        %lt3A_188 = arith.cmpi slt, %min3A_157, %lt3A_187 : vector<16xi32>
        %convert_element_type3A_189 = arith.extui %lt3A_188 : vector<16xi1> to vector<16xi32>
        %swap3A_190 = arith.index_cast %mul3A_143 : i32 to index
        %swap3A_191 = tpu.vector_load %arg14[%swap3A_190] {strides = array<i32>} : memref<256xi32, #tpu.memory_space<vmem>>, vector<16xi32>,
        tpu.vector_store %arg14[%swap3A_190], %convert_element_type3A_189 {strides = array<i32>} : memref<256xi32, #tpu.memory_space<vmem>>, vector<16xi32>,
        %min3A_192 = arith.constant 511 : i32
        %min3A_193 = vector.broadcast %min3A_192 : i32 to vector<16xi32>
        %min3A_194 = arith.minsi %min3A_157, %min3A_193 : vector<16xi32>
        %shift_right_arithmetic3A = arith.constant 7 : i32
        %shift_right_arithmetic3A_195 = vector.broadcast %shift_right_arithmetic3A : i32 to vector<16xi32>
        %shift_right_arithmetic3A_196 = arith.shrsi %min3A_194, %shift_right_arithmetic3A_195 : vector<16xi32>
        %mul3A_197 = arith.constant 2880000 : i32
        %mul3A_198 = vector.broadcast %mul3A_197 : i32 to vector<16xi32>
        %mul3A_199 = arith.muli %shift_right_arithmetic3A_196, %mul3A_198 : vector<16xi32>
        %and3A_200 = arith.constant 127 : i32
        %and3A_201 = vector.broadcast %and3A_200 : i32 to vector<16xi32>
        %and3A_202 = arith.andi %min3A_194, %and3A_201 : vector<16xi32>
        %shift_right_arithmetic3A_203 = arith.constant 3 : i32
        %shift_right_arithmetic3A_204 = vector.broadcast %shift_right_arithmetic3A_203 : i32 to vector<16xi32>
        %shift_right_arithmetic3A_205 = arith.shrsi %and3A_202, %shift_right_arithmetic3A_204 : vector<16xi32>
        %add3A_206 = arith.addi %mul3A_199, %shift_right_arithmetic3A_205 : vector<16xi32>
        %sub3A = arith.constant 512 : i32
        %sub3A_207 = vector.broadcast %sub3A : i32 to vector<16xi32>
        %sub3A_208 = arith.subi %min3A_157, %sub3A_207 : vector<16xi32>
        %max3A_209 = arith.constant 0 : i32
        %max3A_210 = vector.broadcast %max3A_209 : i32 to vector<16xi32>
        %max3A_211 = arith.maxsi %sub3A_208, %max3A_210 : vector<16xi32>
        %shift_right_arithmetic3A_212 = arith.constant 3 : i32
        %shift_right_arithmetic3A_213 = vector.broadcast %shift_right_arithmetic3A_212 : i32 to vector<16xi32>
        %shift_right_arithmetic3A_214 = arith.shrsi %max3A_211, %shift_right_arithmetic3A_213 : vector<16xi32>
        %sub3A_215 = arith.constant 1 : i32
        %sub3A_216 = vector.broadcast %sub3A_215 : i32 to vector<16xi32>
        %sub3A_217 = arith.subi %min3A_170, %sub3A_216 : vector<16xi32>
        %max3A_218 = arith.constant 0 : i32
        %max3A_219 = vector.broadcast %max3A_218 : i32 to vector<16xi32>
        %max3A_220 = arith.maxsi %sub3A_217, %max3A_219 : vector<16xi32>
        %mul3A_221 = arith.constant 300 : i32
        %mul3A_222 = vector.broadcast %mul3A_221 : i32 to vector<16xi32>
        %mul3A_223 = arith.muli %max3A_220, %mul3A_222 : vector<16xi32>
        %mul3A_224 = arith.constant 300 : i32
        %mul3A_225 = vector.broadcast %mul3A_224 : i32 to vector<16xi32>
        %mul3A_226 = arith.muli %min3A_170, %mul3A_225 : vector<16xi32>
        %add3A_227 = arith.constant 1 : i32
        %add3A_228 = vector.broadcast %add3A_227 : i32 to vector<16xi32>
        %add3A_229 = arith.addi %min3A_170, %add3A_228 : vector<16xi32>
        %min3A_230 = arith.constant 299 : i32
        %min3A_231 = vector.broadcast %min3A_230 : i32 to vector<16xi32>
        %min3A_232 = arith.minsi %add3A_229, %min3A_231 : vector<16xi32>
        %mul3A_233 = arith.constant 300 : i32
        %mul3A_234 = vector.broadcast %mul3A_233 : i32 to vector<16xi32>
        %mul3A_235 = arith.muli %min3A_232, %mul3A_234 : vector<16xi32>
        %sub3A_236 = arith.constant 1 : i32
        %sub3A_237 = vector.broadcast %sub3A_236 : i32 to vector<16xi32>
        %sub3A_238 = arith.subi %min3A_183, %sub3A_237 : vector<16xi32>
        %max3A_239 = arith.constant 0 : i32
        %max3A_240 = vector.broadcast %max3A_239 : i32 to vector<16xi32>
        %max3A_241 = arith.maxsi %sub3A_238, %max3A_240 : vector<16xi32>
        %add3A_242 = arith.constant 1 : i32
        %add3A_243 = vector.broadcast %add3A_242 : i32 to vector<16xi32>
        %add3A_244 = arith.addi %min3A_183, %add3A_243 : vector<16xi32>
        %min3A_245 = arith.constant 299 : i32
        %min3A_246 = vector.broadcast %min3A_245 : i32 to vector<16xi32>
        %min3A_247 = arith.minsi %add3A_244, %min3A_246 : vector<16xi32>
        %add3A_248 = vector.broadcast %mul3A_143 : i32 to vector<16xi32>
        %add3A_249 = arith.addi %iota3A, %add3A_248 : vector<16xi32>
        %mul3A_250 = arith.constant 18 : i32
        %mul3A_251 = vector.broadcast %mul3A_250 : i32 to vector<16xi32>
        %mul3A_252 = arith.muli %add3A_249, %mul3A_251 : vector<16xi32>
        %add3A_253 = arith.addi %mul3A_223, %max3A_241 : vector<16xi32>
        %mul3A_254 = arith.constant 32 : i32
        %mul3A_255 = vector.broadcast %mul3A_254 : i32 to vector<16xi32>
        %mul3A_256 = arith.muli %add3A_253, %mul3A_255 : vector<16xi32>
        %add3A_257 = arith.addi %mul3A_256, %add3A_206 : vector<16xi32>
        %mul3A_258 = arith.constant 22 : i32
        %mul3A_259 = vector.broadcast %mul3A_258 : i32 to vector<16xi32>
        %mul3A_260 = arith.muli %add3A_253, %mul3A_259 : vector<16xi32>
        %add3A_261 = arith.addi %mul3A_260, %shift_right_arithmetic3A_214 : vector<16xi32>
        %add3A_262 = arith.constant 0 : i32
        %add3A_263 = vector.broadcast %add3A_262 : i32 to vector<16xi32>
        %add3A_264 = arith.addi %mul3A_252, %add3A_263 : vector<16xi32>
        tpu.vector_store_idx %arg11[%add3A_264], %add3A_257 : memref<4608xi32, #tpu.memory_space<vmem>>[vector<16xi32>], vector<16xi32>,
        %add3A_265 = arith.constant 0 : i32
        %add3A_266 = vector.broadcast %add3A_265 : i32 to vector<16xi32>
        %add3A_267 = arith.addi %mul3A_252, %add3A_266 : vector<16xi32>
        %add3A_268 = arith.constant 1 : i32
        %add3A_269 = vector.broadcast %add3A_268 : i32 to vector<16xi32>
        %add3A_270 = arith.addi %add3A_267, %add3A_269 : vector<16xi32>
        %add3A_271 = arith.constant 16 : i32
        %add3A_272 = vector.broadcast %add3A_271 : i32 to vector<16xi32>
        %add3A_273 = arith.addi %add3A_257, %add3A_272 : vector<16xi32>
        tpu.vector_store_idx %arg11[%add3A_270], %add3A_273 : memref<4608xi32, #tpu.memory_space<vmem>>[vector<16xi32>], vector<16xi32>,
        %add3A_274 = arith.constant 0 : i32
        %add3A_275 = vector.broadcast %add3A_274 : i32 to vector<16xi32>
        %add3A_276 = arith.addi %mul3A_252, %add3A_275 : vector<16xi32>
        tpu.vector_store_idx %arg12[%add3A_276], %add3A_261 : memref<4608xi32, #tpu.memory_space<vmem>>[vector<16xi32>], vector<16xi32>,
        %add3A_277 = arith.constant 0 : i32
        %add3A_278 = vector.broadcast %add3A_277 : i32 to vector<16xi32>
        %add3A_279 = arith.addi %mul3A_252, %add3A_278 : vector<16xi32>
        %add3A_280 = arith.constant 1 : i32
        %add3A_281 = vector.broadcast %add3A_280 : i32 to vector<16xi32>
        %add3A_282 = arith.addi %add3A_279, %add3A_281 : vector<16xi32>
        %add3A_283 = arith.constant 11 : i32
        %add3A_284 = vector.broadcast %add3A_283 : i32 to vector<16xi32>
        %add3A_285 = arith.addi %add3A_261, %add3A_284 : vector<16xi32>
        tpu.vector_store_idx %arg12[%add3A_282], %add3A_285 : memref<4608xi32, #tpu.memory_space<vmem>>[vector<16xi32>], vector<16xi32>,
        %add3A_286 = arith.addi %mul3A_223, %min3A_183 : vector<16xi32>
        %mul3A_287 = arith.constant 32 : i32
        %mul3A_288 = vector.broadcast %mul3A_287 : i32 to vector<16xi32>
        %mul3A_289 = arith.muli %add3A_286, %mul3A_288 : vector<16xi32>
        %add3A_290 = arith.addi %mul3A_289, %add3A_206 : vector<16xi32>
        %mul3A_291 = arith.constant 22 : i32
        %mul3A_292 = vector.broadcast %mul3A_291 : i32 to vector<16xi32>
        %mul3A_293 = arith.muli %add3A_286, %mul3A_292 : vector<16xi32>
        %add3A_294 = arith.addi %mul3A_293, %shift_right_arithmetic3A_214 : vector<16xi32>
        %add3A_295 = arith.constant 2 : i32
        %add3A_296 = vector.broadcast %add3A_295 : i32 to vector<16xi32>
        %add3A_297 = arith.addi %mul3A_252, %add3A_296 : vector<16xi32>
        tpu.vector_store_idx %arg11[%add3A_297], %add3A_290 : memref<4608xi32, #tpu.memory_space<vmem>>[vector<16xi32>], vector<16xi32>,
        %add3A_298 = arith.constant 2 : i32
        %add3A_299 = vector.broadcast %add3A_298 : i32 to vector<16xi32>
        %add3A_300 = arith.addi %mul3A_252, %add3A_299 : vector<16xi32>
        %add3A_301 = arith.constant 1 : i32
        %add3A_302 = vector.broadcast %add3A_301 : i32 to vector<16xi32>
        %add3A_303 = arith.addi %add3A_300, %add3A_302 : vector<16xi32>
        %add3A_304 = arith.constant 16 : i32
        %add3A_305 = vector.broadcast %add3A_304 : i32 to vector<16xi32>
        %add3A_306 = arith.addi %add3A_290, %add3A_305 : vector<16xi32>
        tpu.vector_store_idx %arg11[%add3A_303], %add3A_306 : memref<4608xi32, #tpu.memory_space<vmem>>[vector<16xi32>], vector<16xi32>,
        %add3A_307 = arith.constant 2 : i32
        %add3A_308 = vector.broadcast %add3A_307 : i32 to vector<16xi32>
        %add3A_309 = arith.addi %mul3A_252, %add3A_308 : vector<16xi32>
        tpu.vector_store_idx %arg12[%add3A_309], %add3A_294 : memref<4608xi32, #tpu.memory_space<vmem>>[vector<16xi32>], vector<16xi32>,
        %add3A_310 = arith.constant 2 : i32
        %add3A_311 = vector.broadcast %add3A_310 : i32 to vector<16xi32>
        %add3A_312 = arith.addi %mul3A_252, %add3A_311 : vector<16xi32>
        %add3A_313 = arith.constant 1 : i32
        %add3A_314 = vector.broadcast %add3A_313 : i32 to vector<16xi32>
        %add3A_315 = arith.addi %add3A_312, %add3A_314 : vector<16xi32>
        %add3A_316 = arith.constant 11 : i32
        %add3A_317 = vector.broadcast %add3A_316 : i32 to vector<16xi32>
        %add3A_318 = arith.addi %add3A_294, %add3A_317 : vector<16xi32>
        tpu.vector_store_idx %arg12[%add3A_315], %add3A_318 : memref<4608xi32, #tpu.memory_space<vmem>>[vector<16xi32>], vector<16xi32>,
        %add3A_319 = arith.addi %mul3A_223, %min3A_247 : vector<16xi32>
        %mul3A_320 = arith.constant 32 : i32
        %mul3A_321 = vector.broadcast %mul3A_320 : i32 to vector<16xi32>
        %mul3A_322 = arith.muli %add3A_319, %mul3A_321 : vector<16xi32>
        %add3A_323 = arith.addi %mul3A_322, %add3A_206 : vector<16xi32>
        %mul3A_324 = arith.constant 22 : i32
        %mul3A_325 = vector.broadcast %mul3A_324 : i32 to vector<16xi32>
        %mul3A_326 = arith.muli %add3A_319, %mul3A_325 : vector<16xi32>
        %add3A_327 = arith.addi %mul3A_326, %shift_right_arithmetic3A_214 : vector<16xi32>
        %add3A_328 = arith.constant 4 : i32
        %add3A_329 = vector.broadcast %add3A_328 : i32 to vector<16xi32>
        %add3A_330 = arith.addi %mul3A_252, %add3A_329 : vector<16xi32>
        tpu.vector_store_idx %arg11[%add3A_330], %add3A_323 : memref<4608xi32, #tpu.memory_space<vmem>>[vector<16xi32>], vector<16xi32>,
        %add3A_331 = arith.constant 4 : i32
        %add3A_332 = vector.broadcast %add3A_331 : i32 to vector<16xi32>
        %add3A_333 = arith.addi %mul3A_252, %add3A_332 : vector<16xi32>
        %add3A_334 = arith.constant 1 : i32
        %add3A_335 = vector.broadcast %add3A_334 : i32 to vector<16xi32>
        %add3A_336 = arith.addi %add3A_333, %add3A_335 : vector<16xi32>
        %add3A_337 = arith.constant 16 : i32
        %add3A_338 = vector.broadcast %add3A_337 : i32 to vector<16xi32>
        %add3A_339 = arith.addi %add3A_323, %add3A_338 : vector<16xi32>
        tpu.vector_store_idx %arg11[%add3A_336], %add3A_339 : memref<4608xi32, #tpu.memory_space<vmem>>[vector<16xi32>], vector<16xi32>,
        %add3A_340 = arith.constant 4 : i32
        %add3A_341 = vector.broadcast %add3A_340 : i32 to vector<16xi32>
        %add3A_342 = arith.addi %mul3A_252, %add3A_341 : vector<16xi32>
        tpu.vector_store_idx %arg12[%add3A_342], %add3A_327 : memref<4608xi32, #tpu.memory_space<vmem>>[vector<16xi32>], vector<16xi32>,
        %add3A_343 = arith.constant 4 : i32
        %add3A_344 = vector.broadcast %add3A_343 : i32 to vector<16xi32>
        %add3A_345 = arith.addi %mul3A_252, %add3A_344 : vector<16xi32>
        %add3A_346 = arith.constant 1 : i32
        %add3A_347 = vector.broadcast %add3A_346 : i32 to vector<16xi32>
        %add3A_348 = arith.addi %add3A_345, %add3A_347 : vector<16xi32>
        %add3A_349 = arith.constant 11 : i32
        %add3A_350 = vector.broadcast %add3A_349 : i32 to vector<16xi32>
        %add3A_351 = arith.addi %add3A_327, %add3A_350 : vector<16xi32>
        tpu.vector_store_idx %arg12[%add3A_348], %add3A_351 : memref<4608xi32, #tpu.memory_space<vmem>>[vector<16xi32>], vector<16xi32>,
        %add3A_352 = arith.addi %mul3A_226, %max3A_241 : vector<16xi32>
        %mul3A_353 = arith.constant 32 : i32
        %mul3A_354 = vector.broadcast %mul3A_353 : i32 to vector<16xi32>
        %mul3A_355 = arith.muli %add3A_352, %mul3A_354 : vector<16xi32>
        %add3A_356 = arith.addi %mul3A_355, %add3A_206 : vector<16xi32>
        %mul3A_357 = arith.constant 22 : i32
        %mul3A_358 = vector.broadcast %mul3A_357 : i32 to vector<16xi32>
        %mul3A_359 = arith.muli %add3A_352, %mul3A_358 : vector<16xi32>
        %add3A_360 = arith.addi %mul3A_359, %shift_right_arithmetic3A_214 : vector<16xi32>
        %add3A_361 = arith.constant 6 : i32
        %add3A_362 = vector.broadcast %add3A_361 : i32 to vector<16xi32>
        %add3A_363 = arith.addi %mul3A_252, %add3A_362 : vector<16xi32>
        tpu.vector_store_idx %arg11[%add3A_363], %add3A_356 : memref<4608xi32, #tpu.memory_space<vmem>>[vector<16xi32>], vector<16xi32>,
        %add3A_364 = arith.constant 6 : i32
        %add3A_365 = vector.broadcast %add3A_364 : i32 to vector<16xi32>
        %add3A_366 = arith.addi %mul3A_252, %add3A_365 : vector<16xi32>
        %add3A_367 = arith.constant 1 : i32
        %add3A_368 = vector.broadcast %add3A_367 : i32 to vector<16xi32>
        %add3A_369 = arith.addi %add3A_366, %add3A_368 : vector<16xi32>
        %add3A_370 = arith.constant 16 : i32
        %add3A_371 = vector.broadcast %add3A_370 : i32 to vector<16xi32>
        %add3A_372 = arith.addi %add3A_356, %add3A_371 : vector<16xi32>
        tpu.vector_store_idx %arg11[%add3A_369], %add3A_372 : memref<4608xi32, #tpu.memory_space<vmem>>[vector<16xi32>], vector<16xi32>,
        %add3A_373 = arith.constant 6 : i32
        %add3A_374 = vector.broadcast %add3A_373 : i32 to vector<16xi32>
        %add3A_375 = arith.addi %mul3A_252, %add3A_374 : vector<16xi32>
        tpu.vector_store_idx %arg12[%add3A_375], %add3A_360 : memref<4608xi32, #tpu.memory_space<vmem>>[vector<16xi32>], vector<16xi32>,
        %add3A_376 = arith.constant 6 : i32
        %add3A_377 = vector.broadcast %add3A_376 : i32 to vector<16xi32>
        %add3A_378 = arith.addi %mul3A_252, %add3A_377 : vector<16xi32>
        %add3A_379 = arith.constant 1 : i32
        %add3A_380 = vector.broadcast %add3A_379 : i32 to vector<16xi32>
        %add3A_381 = arith.addi %add3A_378, %add3A_380 : vector<16xi32>
        %add3A_382 = arith.constant 11 : i32
        %add3A_383 = vector.broadcast %add3A_382 : i32 to vector<16xi32>
        %add3A_384 = arith.addi %add3A_360, %add3A_383 : vector<16xi32>
        tpu.vector_store_idx %arg12[%add3A_381], %add3A_384 : memref<4608xi32, #tpu.memory_space<vmem>>[vector<16xi32>], vector<16xi32>,
        %add3A_385 = arith.addi %mul3A_226, %min3A_183 : vector<16xi32>
        %mul3A_386 = arith.constant 32 : i32
        %mul3A_387 = vector.broadcast %mul3A_386 : i32 to vector<16xi32>
        %mul3A_388 = arith.muli %add3A_385, %mul3A_387 : vector<16xi32>
        %add3A_389 = arith.addi %mul3A_388, %add3A_206 : vector<16xi32>
        %mul3A_390 = arith.constant 22 : i32
        %mul3A_391 = vector.broadcast %mul3A_390 : i32 to vector<16xi32>
        %mul3A_392 = arith.muli %add3A_385, %mul3A_391 : vector<16xi32>
        %add3A_393 = arith.addi %mul3A_392, %shift_right_arithmetic3A_214 : vector<16xi32>
        %add3A_394 = arith.constant 8 : i32
        %add3A_395 = vector.broadcast %add3A_394 : i32 to vector<16xi32>
        %add3A_396 = arith.addi %mul3A_252, %add3A_395 : vector<16xi32>
        tpu.vector_store_idx %arg11[%add3A_396], %add3A_389 : memref<4608xi32, #tpu.memory_space<vmem>>[vector<16xi32>], vector<16xi32>,
        %add3A_397 = arith.constant 8 : i32
        %add3A_398 = vector.broadcast %add3A_397 : i32 to vector<16xi32>
        %add3A_399 = arith.addi %mul3A_252, %add3A_398 : vector<16xi32>
        %add3A_400 = arith.constant 1 : i32
        %add3A_401 = vector.broadcast %add3A_400 : i32 to vector<16xi32>
        %add3A_402 = arith.addi %add3A_399, %add3A_401 : vector<16xi32>
        %add3A_403 = arith.constant 16 : i32
        %add3A_404 = vector.broadcast %add3A_403 : i32 to vector<16xi32>
        %add3A_405 = arith.addi %add3A_389, %add3A_404 : vector<16xi32>
        tpu.vector_store_idx %arg11[%add3A_402], %add3A_405 : memref<4608xi32, #tpu.memory_space<vmem>>[vector<16xi32>], vector<16xi32>,
        %add3A_406 = arith.constant 8 : i32
        %add3A_407 = vector.broadcast %add3A_406 : i32 to vector<16xi32>
        %add3A_408 = arith.addi %mul3A_252, %add3A_407 : vector<16xi32>
        tpu.vector_store_idx %arg12[%add3A_408], %add3A_393 : memref<4608xi32, #tpu.memory_space<vmem>>[vector<16xi32>], vector<16xi32>,
        %add3A_409 = arith.constant 8 : i32
        %add3A_410 = vector.broadcast %add3A_409 : i32 to vector<16xi32>
        %add3A_411 = arith.addi %mul3A_252, %add3A_410 : vector<16xi32>
        %add3A_412 = arith.constant 1 : i32
        %add3A_413 = vector.broadcast %add3A_412 : i32 to vector<16xi32>
        %add3A_414 = arith.addi %add3A_411, %add3A_413 : vector<16xi32>
        %add3A_415 = arith.constant 11 : i32
        %add3A_416 = vector.broadcast %add3A_415 : i32 to vector<16xi32>
        %add3A_417 = arith.addi %add3A_393, %add3A_416 : vector<16xi32>
        tpu.vector_store_idx %arg12[%add3A_414], %add3A_417 : memref<4608xi32, #tpu.memory_space<vmem>>[vector<16xi32>], vector<16xi32>,
        %add3A_418 = arith.addi %mul3A_226, %min3A_247 : vector<16xi32>
        %mul3A_419 = arith.constant 32 : i32
        %mul3A_420 = vector.broadcast %mul3A_419 : i32 to vector<16xi32>
        %mul3A_421 = arith.muli %add3A_418, %mul3A_420 : vector<16xi32>
        %add3A_422 = arith.addi %mul3A_421, %add3A_206 : vector<16xi32>
        %mul3A_423 = arith.constant 22 : i32
        %mul3A_424 = vector.broadcast %mul3A_423 : i32 to vector<16xi32>
        %mul3A_425 = arith.muli %add3A_418, %mul3A_424 : vector<16xi32>
        %add3A_426 = arith.addi %mul3A_425, %shift_right_arithmetic3A_214 : vector<16xi32>
        %add3A_427 = arith.constant 10 : i32
        %add3A_428 = vector.broadcast %add3A_427 : i32 to vector<16xi32>
        %add3A_429 = arith.addi %mul3A_252, %add3A_428 : vector<16xi32>
        tpu.vector_store_idx %arg11[%add3A_429], %add3A_422 : memref<4608xi32, #tpu.memory_space<vmem>>[vector<16xi32>], vector<16xi32>,
        %add3A_430 = arith.constant 10 : i32
        %add3A_431 = vector.broadcast %add3A_430 : i32 to vector<16xi32>
        %add3A_432 = arith.addi %mul3A_252, %add3A_431 : vector<16xi32>
        %add3A_433 = arith.constant 1 : i32
        %add3A_434 = vector.broadcast %add3A_433 : i32 to vector<16xi32>
        %add3A_435 = arith.addi %add3A_432, %add3A_434 : vector<16xi32>
        %add3A_436 = arith.constant 16 : i32
        %add3A_437 = vector.broadcast %add3A_436 : i32 to vector<16xi32>
        %add3A_438 = arith.addi %add3A_422, %add3A_437 : vector<16xi32>
        tpu.vector_store_idx %arg11[%add3A_435], %add3A_438 : memref<4608xi32, #tpu.memory_space<vmem>>[vector<16xi32>], vector<16xi32>,
        %add3A_439 = arith.constant 10 : i32
        %add3A_440 = vector.broadcast %add3A_439 : i32 to vector<16xi32>
        %add3A_441 = arith.addi %mul3A_252, %add3A_440 : vector<16xi32>
        tpu.vector_store_idx %arg12[%add3A_441], %add3A_426 : memref<4608xi32, #tpu.memory_space<vmem>>[vector<16xi32>], vector<16xi32>,
        %add3A_442 = arith.constant 10 : i32
        %add3A_443 = vector.broadcast %add3A_442 : i32 to vector<16xi32>
        %add3A_444 = arith.addi %mul3A_252, %add3A_443 : vector<16xi32>
        %add3A_445 = arith.constant 1 : i32
        %add3A_446 = vector.broadcast %add3A_445 : i32 to vector<16xi32>
        %add3A_447 = arith.addi %add3A_444, %add3A_446 : vector<16xi32>
        %add3A_448 = arith.constant 11 : i32
        %add3A_449 = vector.broadcast %add3A_448 : i32 to vector<16xi32>
        %add3A_450 = arith.addi %add3A_426, %add3A_449 : vector<16xi32>
        tpu.vector_store_idx %arg12[%add3A_447], %add3A_450 : memref<4608xi32, #tpu.memory_space<vmem>>[vector<16xi32>], vector<16xi32>,
        %add3A_451 = arith.addi %mul3A_235, %max3A_241 : vector<16xi32>
        %mul3A_452 = arith.constant 32 : i32
        %mul3A_453 = vector.broadcast %mul3A_452 : i32 to vector<16xi32>
        %mul3A_454 = arith.muli %add3A_451, %mul3A_453 : vector<16xi32>
        %add3A_455 = arith.addi %mul3A_454, %add3A_206 : vector<16xi32>
        %mul3A_456 = arith.constant 22 : i32
        %mul3A_457 = vector.broadcast %mul3A_456 : i32 to vector<16xi32>
        %mul3A_458 = arith.muli %add3A_451, %mul3A_457 : vector<16xi32>
        %add3A_459 = arith.addi %mul3A_458, %shift_right_arithmetic3A_214 : vector<16xi32>
        %add3A_460 = arith.constant 12 : i32
        %add3A_461 = vector.broadcast %add3A_460 : i32 to vector<16xi32>
        %add3A_462 = arith.addi %mul3A_252, %add3A_461 : vector<16xi32>
        tpu.vector_store_idx %arg11[%add3A_462], %add3A_455 : memref<4608xi32, #tpu.memory_space<vmem>>[vector<16xi32>], vector<16xi32>,
        %add3A_463 = arith.constant 12 : i32
        %add3A_464 = vector.broadcast %add3A_463 : i32 to vector<16xi32>
        %add3A_465 = arith.addi %mul3A_252, %add3A_464 : vector<16xi32>
        %add3A_466 = arith.constant 1 : i32
        %add3A_467 = vector.broadcast %add3A_466 : i32 to vector<16xi32>
        %add3A_468 = arith.addi %add3A_465, %add3A_467 : vector<16xi32>
        %add3A_469 = arith.constant 16 : i32
        %add3A_470 = vector.broadcast %add3A_469 : i32 to vector<16xi32>
        %add3A_471 = arith.addi %add3A_455, %add3A_470 : vector<16xi32>
        tpu.vector_store_idx %arg11[%add3A_468], %add3A_471 : memref<4608xi32, #tpu.memory_space<vmem>>[vector<16xi32>], vector<16xi32>,
        %add3A_472 = arith.constant 12 : i32
        %add3A_473 = vector.broadcast %add3A_472 : i32 to vector<16xi32>
        %add3A_474 = arith.addi %mul3A_252, %add3A_473 : vector<16xi32>
        tpu.vector_store_idx %arg12[%add3A_474], %add3A_459 : memref<4608xi32, #tpu.memory_space<vmem>>[vector<16xi32>], vector<16xi32>,
        %add3A_475 = arith.constant 12 : i32
        %add3A_476 = vector.broadcast %add3A_475 : i32 to vector<16xi32>
        %add3A_477 = arith.addi %mul3A_252, %add3A_476 : vector<16xi32>
        %add3A_478 = arith.constant 1 : i32
        %add3A_479 = vector.broadcast %add3A_478 : i32 to vector<16xi32>
        %add3A_480 = arith.addi %add3A_477, %add3A_479 : vector<16xi32>
        %add3A_481 = arith.constant 11 : i32
        %add3A_482 = vector.broadcast %add3A_481 : i32 to vector<16xi32>
        %add3A_483 = arith.addi %add3A_459, %add3A_482 : vector<16xi32>
        tpu.vector_store_idx %arg12[%add3A_480], %add3A_483 : memref<4608xi32, #tpu.memory_space<vmem>>[vector<16xi32>], vector<16xi32>,
        %add3A_484 = arith.addi %mul3A_235, %min3A_183 : vector<16xi32>
        %mul3A_485 = arith.constant 32 : i32
        %mul3A_486 = vector.broadcast %mul3A_485 : i32 to vector<16xi32>
        %mul3A_487 = arith.muli %add3A_484, %mul3A_486 : vector<16xi32>
        %add3A_488 = arith.addi %mul3A_487, %add3A_206 : vector<16xi32>
        %mul3A_489 = arith.constant 22 : i32
        %mul3A_490 = vector.broadcast %mul3A_489 : i32 to vector<16xi32>
        %mul3A_491 = arith.muli %add3A_484, %mul3A_490 : vector<16xi32>
        %add3A_492 = arith.addi %mul3A_491, %shift_right_arithmetic3A_214 : vector<16xi32>
        %add3A_493 = arith.constant 14 : i32
        %add3A_494 = vector.broadcast %add3A_493 : i32 to vector<16xi32>
        %add3A_495 = arith.addi %mul3A_252, %add3A_494 : vector<16xi32>
        tpu.vector_store_idx %arg11[%add3A_495], %add3A_488 : memref<4608xi32, #tpu.memory_space<vmem>>[vector<16xi32>], vector<16xi32>,
        %add3A_496 = arith.constant 14 : i32
        %add3A_497 = vector.broadcast %add3A_496 : i32 to vector<16xi32>
        %add3A_498 = arith.addi %mul3A_252, %add3A_497 : vector<16xi32>
        %add3A_499 = arith.constant 1 : i32
        %add3A_500 = vector.broadcast %add3A_499 : i32 to vector<16xi32>
        %add3A_501 = arith.addi %add3A_498, %add3A_500 : vector<16xi32>
        %add3A_502 = arith.constant 16 : i32
        %add3A_503 = vector.broadcast %add3A_502 : i32 to vector<16xi32>
        %add3A_504 = arith.addi %add3A_488, %add3A_503 : vector<16xi32>
        tpu.vector_store_idx %arg11[%add3A_501], %add3A_504 : memref<4608xi32, #tpu.memory_space<vmem>>[vector<16xi32>], vector<16xi32>,
        %add3A_505 = arith.constant 14 : i32
        %add3A_506 = vector.broadcast %add3A_505 : i32 to vector<16xi32>
        %add3A_507 = arith.addi %mul3A_252, %add3A_506 : vector<16xi32>
        tpu.vector_store_idx %arg12[%add3A_507], %add3A_492 : memref<4608xi32, #tpu.memory_space<vmem>>[vector<16xi32>], vector<16xi32>,
        %add3A_508 = arith.constant 14 : i32
        %add3A_509 = vector.broadcast %add3A_508 : i32 to vector<16xi32>
        %add3A_510 = arith.addi %mul3A_252, %add3A_509 : vector<16xi32>
        %add3A_511 = arith.constant 1 : i32
        %add3A_512 = vector.broadcast %add3A_511 : i32 to vector<16xi32>
        %add3A_513 = arith.addi %add3A_510, %add3A_512 : vector<16xi32>
        %add3A_514 = arith.constant 11 : i32
        %add3A_515 = vector.broadcast %add3A_514 : i32 to vector<16xi32>
        %add3A_516 = arith.addi %add3A_492, %add3A_515 : vector<16xi32>
        tpu.vector_store_idx %arg12[%add3A_513], %add3A_516 : memref<4608xi32, #tpu.memory_space<vmem>>[vector<16xi32>], vector<16xi32>,
        %add3A_517 = arith.addi %mul3A_235, %min3A_247 : vector<16xi32>
        %mul3A_518 = arith.constant 32 : i32
        %mul3A_519 = vector.broadcast %mul3A_518 : i32 to vector<16xi32>
        %mul3A_520 = arith.muli %add3A_517, %mul3A_519 : vector<16xi32>
        %add3A_521 = arith.addi %mul3A_520, %add3A_206 : vector<16xi32>
        %mul3A_522 = arith.constant 22 : i32
        %mul3A_523 = vector.broadcast %mul3A_522 : i32 to vector<16xi32>
        %mul3A_524 = arith.muli %add3A_517, %mul3A_523 : vector<16xi32>
        %add3A_525 = arith.addi %mul3A_524, %shift_right_arithmetic3A_214 : vector<16xi32>
        %add3A_526 = arith.constant 16 : i32
        %add3A_527 = vector.broadcast %add3A_526 : i32 to vector<16xi32>
        %add3A_528 = arith.addi %mul3A_252, %add3A_527 : vector<16xi32>
        tpu.vector_store_idx %arg11[%add3A_528], %add3A_521 : memref<4608xi32, #tpu.memory_space<vmem>>[vector<16xi32>], vector<16xi32>,
        %add3A_529 = arith.constant 16 : i32
        %add3A_530 = vector.broadcast %add3A_529 : i32 to vector<16xi32>
        %add3A_531 = arith.addi %mul3A_252, %add3A_530 : vector<16xi32>
        %add3A_532 = arith.constant 1 : i32
        %add3A_533 = vector.broadcast %add3A_532 : i32 to vector<16xi32>
        %add3A_534 = arith.addi %add3A_531, %add3A_533 : vector<16xi32>
        %add3A_535 = arith.constant 16 : i32
        %add3A_536 = vector.broadcast %add3A_535 : i32 to vector<16xi32>
        %add3A_537 = arith.addi %add3A_521, %add3A_536 : vector<16xi32>
        tpu.vector_store_idx %arg11[%add3A_534], %add3A_537 : memref<4608xi32, #tpu.memory_space<vmem>>[vector<16xi32>], vector<16xi32>,
        %add3A_538 = arith.constant 16 : i32
        %add3A_539 = vector.broadcast %add3A_538 : i32 to vector<16xi32>
        %add3A_540 = arith.addi %mul3A_252, %add3A_539 : vector<16xi32>
        tpu.vector_store_idx %arg12[%add3A_540], %add3A_525 : memref<4608xi32, #tpu.memory_space<vmem>>[vector<16xi32>], vector<16xi32>,
        %add3A_541 = arith.constant 16 : i32
        %add3A_542 = vector.broadcast %add3A_541 : i32 to vector<16xi32>
        %add3A_543 = arith.addi %mul3A_252, %add3A_542 : vector<16xi32>
        %add3A_544 = arith.constant 1 : i32
        %add3A_545 = vector.broadcast %add3A_544 : i32 to vector<16xi32>
        %add3A_546 = arith.addi %add3A_543, %add3A_545 : vector<16xi32>
        %add3A_547 = arith.constant 11 : i32
        %add3A_548 = vector.broadcast %add3A_547 : i32 to vector<16xi32>
        %add3A_549 = arith.addi %add3A_525, %add3A_548 : vector<16xi32>
        tpu.vector_store_idx %arg12[%add3A_546], %add3A_549 : memref<4608xi32, #tpu.memory_space<vmem>>[vector<16xi32>], vector<16xi32>,
        %scan3A_550 = arith.constant 0 : i32
        scf.yield %scan3A_550 : i32
      }
      %scan3A_20 = arith.constant 16 : i32
      %dma_start3A = arith.constant 0 : i32
      %dma_start3A_21 = arith.constant 0 : i32
      %dma_start3A_22 = tpu.memref_slice %arg15[%dma_start3A, %dma_start3A_21] : memref<4608x8xf32, #tpu.memory_space<vmem>> -> memref<128x8xf32, #tpu.memory_space<vmem>>
      %dma_start3A_23 = arith.constant 0 : i32
      %dma_start3A_24 = tpu.memref_slice %arg11[%dma_start3A_23] : memref<4608xi32, #tpu.memory_space<vmem>> -> memref<128xi32, #tpu.memory_space<vmem>>
      %dma_start3A_25 = arith.constant 0 : i32
      %dma_start3A_26 = arith.constant 0 : i32
      %dma_start3A_27 = tpu.memref_slice %arg5[%dma_start3A_25, %dma_start3A_26] : memref<11520000x8xf32, #tpu.memory_space<hbm>> -> memref<11520000x8xf32, #tpu.memory_space<hbm>>
      tpu.enqueue_indirect_dma source(%dma_start3A_27 : memref<11520000x8xf32, #tpu.memory_space<hbm>>) target(%dma_start3A_22 : memref<128x8xf32, #tpu.memory_space<vmem>>) offsets(%dma_start3A_24 : memref<128xi32, #tpu.memory_space<vmem>>) semaphore(%arg18 : memref<!tpu.dma_semaphore, #tpu.memory_space<semaphore_mem>>)
      %dma_start3A_28 = arith.constant 0 : i32
      %dma_start3A_29 = arith.constant 0 : i32
      %dma_start3A_30 = tpu.memref_slice %arg16[%dma_start3A_28, %dma_start3A_29] : memref<4608x8xf32, #tpu.memory_space<vmem>> -> memref<128x8xf32, #tpu.memory_space<vmem>>
      %dma_start3A_31 = arith.constant 0 : i32
      %dma_start3A_32 = tpu.memref_slice %arg12[%dma_start3A_31] : memref<4608xi32, #tpu.memory_space<vmem>> -> memref<128xi32, #tpu.memory_space<vmem>>
      %dma_start3A_33 = arith.constant 0 : i32
      %dma_start3A_34 = arith.constant 0 : i32
      %dma_start3A_35 = tpu.memref_slice %arg6[%dma_start3A_33, %dma_start3A_34] : memref<1980000x8xf32, #tpu.memory_space<hbm>> -> memref<1980000x8xf32, #tpu.memory_space<hbm>>
      tpu.enqueue_indirect_dma source(%dma_start3A_35 : memref<1980000x8xf32, #tpu.memory_space<hbm>>) target(%dma_start3A_30 : memref<128x8xf32, #tpu.memory_space<vmem>>) offsets(%dma_start3A_32 : memref<128xi32, #tpu.memory_space<vmem>>) semaphore(%arg18 : memref<!tpu.dma_semaphore, #tpu.memory_space<semaphore_mem>>)
      %dma_start3A_36 = arith.constant 128 : i32
      %dma_start3A_37 = arith.constant 0 : i32
      %dma_start3A_38 = tpu.memref_slice %arg15[%dma_start3A_36, %dma_start3A_37] : memref<4608x8xf32, #tpu.memory_space<vmem>> -> memref<128x8xf32, #tpu.memory_space<vmem>>
      %dma_start3A_39 = arith.constant 128 : i32
      %dma_start3A_40 = tpu.memref_slice %arg11[%dma_start3A_39] : memref<4608xi32, #tpu.memory_space<vmem>> -> memref<128xi32, #tpu.memory_space<vmem>>
      %dma_start3A_41 = arith.constant 0 : i32
      %dma_start3A_42 = arith.constant 0 : i32
      %dma_start3A_43 = tpu.memref_slice %arg5[%dma_start3A_41, %dma_start3A_42] : memref<11520000x8xf32, #tpu.memory_space<hbm>> -> memref<11520000x8xf32, #tpu.memory_space<hbm>>
      tpu.enqueue_indirect_dma source(%dma_start3A_43 : memref<11520000x8xf32, #tpu.memory_space<hbm>>) target(%dma_start3A_38 : memref<128x8xf32, #tpu.memory_space<vmem>>) offsets(%dma_start3A_40 : memref<128xi32, #tpu.memory_space<vmem>>) semaphore(%arg18 : memref<!tpu.dma_semaphore, #tpu.memory_space<semaphore_mem>>)
      %dma_start3A_44 = arith.constant 128 : i32
      %dma_start3A_45 = arith.constant 0 : i32
      %dma_start3A_46 = tpu.memref_slice %arg16[%dma_start3A_44, %dma_start3A_45] : memref<4608x8xf32, #tpu.memory_space<vmem>> -> memref<128x8xf32, #tpu.memory_space<vmem>>
      %dma_start3A_47 = arith.constant 128 : i32
      %dma_start3A_48 = tpu.memref_slice %arg12[%dma_start3A_47] : memref<4608xi32, #tpu.memory_space<vmem>> -> memref<128xi32, #tpu.memory_space<vmem>>
      %dma_start3A_49 = arith.constant 0 : i32
      %dma_start3A_50 = arith.constant 0 : i32
      %dma_start3A_51 = tpu.memref_slice %arg6[%dma_start3A_49, %dma_start3A_50] : memref<1980000x8xf32, #tpu.memory_space<hbm>> -> memref<1980000x8xf32, #tpu.memory_space<hbm>>
      tpu.enqueue_indirect_dma source(%dma_start3A_51 : memref<1980000x8xf32, #tpu.memory_space<hbm>>) target(%dma_start3A_46 : memref<128x8xf32, #tpu.memory_space<vmem>>) offsets(%dma_start3A_48 : memref<128xi32, #tpu.memory_space<vmem>>) semaphore(%arg18 : memref<!tpu.dma_semaphore, #tpu.memory_space<semaphore_mem>>)
      %dma_start3A_52 = arith.constant 256 : i32
      %dma_start3A_53 = arith.constant 0 : i32
      %dma_start3A_54 = tpu.memref_slice %arg15[%dma_start3A_52, %dma_start3A_53] : memref<4608x8xf32, #tpu.memory_space<vmem>> -> memref<128x8xf32, #tpu.memory_space<vmem>>
      %dma_start3A_55 = arith.constant 256 : i32
      %dma_start3A_56 = tpu.memref_slice %arg11[%dma_start3A_55] : memref<4608xi32, #tpu.memory_space<vmem>> -> memref<128xi32, #tpu.memory_space<vmem>>
      %dma_start3A_57 = arith.constant 0 : i32
      %dma_start3A_58 = arith.constant 0 : i32
      %dma_start3A_59 = tpu.memref_slice %arg5[%dma_start3A_57, %dma_start3A_58] : memref<11520000x8xf32, #tpu.memory_space<hbm>> -> memref<11520000x8xf32, #tpu.memory_space<hbm>>
      tpu.enqueue_indirect_dma source(%dma_start3A_59 : memref<11520000x8xf32, #tpu.memory_space<hbm>>) target(%dma_start3A_54 : memref<128x8xf32, #tpu.memory_space<vmem>>) offsets(%dma_start3A_56 : memref<128xi32, #tpu.memory_space<vmem>>) semaphore(%arg18 : memref<!tpu.dma_semaphore, #tpu.memory_space<semaphore_mem>>)
      %dma_start3A_60 = arith.constant 256 : i32
      %dma_start3A_61 = arith.constant 0 : i32
      %dma_start3A_62 = tpu.memref_slice %arg16[%dma_start3A_60, %dma_start3A_61] : memref<4608x8xf32, #tpu.memory_space<vmem>> -> memref<128x8xf32, #tpu.memory_space<vmem>>
      %dma_start3A_63 = arith.constant 256 : i32
      %dma_start3A_64 = tpu.memref_slice %arg12[%dma_start3A_63] : memref<4608xi32, #tpu.memory_space<vmem>> -> memref<128xi32, #tpu.memory_space<vmem>>
      %dma_start3A_65 = arith.constant 0 : i32
      %dma_start3A_66 = arith.constant 0 : i32
      %dma_start3A_67 = tpu.memref_slice %arg6[%dma_start3A_65, %dma_start3A_66] : memref<1980000x8xf32, #tpu.memory_space<hbm>> -> memref<1980000x8xf32, #tpu.memory_space<hbm>>
      tpu.enqueue_indirect_dma source(%dma_start3A_67 : memref<1980000x8xf32, #tpu.memory_space<hbm>>) target(%dma_start3A_62 : memref<128x8xf32, #tpu.memory_space<vmem>>) offsets(%dma_start3A_64 : memref<128xi32, #tpu.memory_space<vmem>>) semaphore(%arg18 : memref<!tpu.dma_semaphore, #tpu.memory_space<semaphore_mem>>)
      %dma_start3A_68 = arith.constant 384 : i32
      %dma_start3A_69 = arith.constant 0 : i32
      %dma_start3A_70 = tpu.memref_slice %arg15[%dma_start3A_68, %dma_start3A_69] : memref<4608x8xf32, #tpu.memory_space<vmem>> -> memref<128x8xf32, #tpu.memory_space<vmem>>
      %dma_start3A_71 = arith.constant 384 : i32
      %dma_start3A_72 = tpu.memref_slice %arg11[%dma_start3A_71] : memref<4608xi32, #tpu.memory_space<vmem>> -> memref<128xi32, #tpu.memory_space<vmem>>
      %dma_start3A_73 = arith.constant 0 : i32
      %dma_start3A_74 = arith.constant 0 : i32
      %dma_start3A_75 = tpu.memref_slice %arg5[%dma_start3A_73, %dma_start3A_74] : memref<11520000x8xf32, #tpu.memory_space<hbm>> -> memref<11520000x8xf32, #tpu.memory_space<hbm>>
      tpu.enqueue_indirect_dma source(%dma_start3A_75 : memref<11520000x8xf32, #tpu.memory_space<hbm>>) target(%dma_start3A_70 : memref<128x8xf32, #tpu.memory_space<vmem>>) offsets(%dma_start3A_72 : memref<128xi32, #tpu.memory_space<vmem>>) semaphore(%arg18 : memref<!tpu.dma_semaphore, #tpu.memory_space<semaphore_mem>>)
      %dma_start3A_76 = arith.constant 384 : i32
      %dma_start3A_77 = arith.constant 0 : i32
      %dma_start3A_78 = tpu.memref_slice %arg16[%dma_start3A_76, %dma_start3A_77] : memref<4608x8xf32, #tpu.memory_space<vmem>> -> memref<128x8xf32, #tpu.memory_space<vmem>>
      %dma_start3A_79 = arith.constant 384 : i32
      %dma_start3A_80 = tpu.memref_slice %arg12[%dma_start3A_79] : memref<4608xi32, #tpu.memory_space<vmem>> -> memref<128xi32, #tpu.memory_space<vmem>>
      %dma_start3A_81 = arith.constant 0 : i32
      %dma_start3A_82 = arith.constant 0 : i32
      %dma_start3A_83 = tpu.memref_slice %arg6[%dma_start3A_81, %dma_start3A_82] : memref<1980000x8xf32, #tpu.memory_space<hbm>> -> memref<1980000x8xf32, #tpu.memory_space<hbm>>
      tpu.enqueue_indirect_dma source(%dma_start3A_83 : memref<1980000x8xf32, #tpu.memory_space<hbm>>) target(%dma_start3A_78 : memref<128x8xf32, #tpu.memory_space<vmem>>) offsets(%dma_start3A_80 : memref<128xi32, #tpu.memory_space<vmem>>) semaphore(%arg18 : memref<!tpu.dma_semaphore, #tpu.memory_space<semaphore_mem>>)
      %dma_start3A_84 = arith.constant 512 : i32
      %dma_start3A_85 = arith.constant 0 : i32
      %dma_start3A_86 = tpu.memref_slice %arg15[%dma_start3A_84, %dma_start3A_85] : memref<4608x8xf32, #tpu.memory_space<vmem>> -> memref<128x8xf32, #tpu.memory_space<vmem>>
      %dma_start3A_87 = arith.constant 512 : i32
      %dma_start3A_88 = tpu.memref_slice %arg11[%dma_start3A_87] : memref<4608xi32, #tpu.memory_space<vmem>> -> memref<128xi32, #tpu.memory_space<vmem>>
      %dma_start3A_89 = arith.constant 0 : i32
      %dma_start3A_90 = arith.constant 0 : i32
      %dma_start3A_91 = tpu.memref_slice %arg5[%dma_start3A_89, %dma_start3A_90] : memref<11520000x8xf32, #tpu.memory_space<hbm>> -> memref<11520000x8xf32, #tpu.memory_space<hbm>>
      tpu.enqueue_indirect_dma source(%dma_start3A_91 : memref<11520000x8xf32, #tpu.memory_space<hbm>>) target(%dma_start3A_86 : memref<128x8xf32, #tpu.memory_space<vmem>>) offsets(%dma_start3A_88 : memref<128xi32, #tpu.memory_space<vmem>>) semaphore(%arg18 : memref<!tpu.dma_semaphore, #tpu.memory_space<semaphore_mem>>)
      %dma_start3A_92 = arith.constant 512 : i32
      %dma_start3A_93 = arith.constant 0 : i32
      %dma_start3A_94 = tpu.memref_slice %arg16[%dma_start3A_92, %dma_start3A_93] : memref<4608x8xf32, #tpu.memory_space<vmem>> -> memref<128x8xf32, #tpu.memory_space<vmem>>
      %dma_start3A_95 = arith.constant 512 : i32
      %dma_start3A_96 = tpu.memref_slice %arg12[%dma_start3A_95] : memref<4608xi32, #tpu.memory_space<vmem>> -> memref<128xi32, #tpu.memory_space<vmem>>
      %dma_start3A_97 = arith.constant 0 : i32
      %dma_start3A_98 = arith.constant 0 : i32
      %dma_start3A_99 = tpu.memref_slice %arg6[%dma_start3A_97, %dma_start3A_98] : memref<1980000x8xf32, #tpu.memory_space<hbm>> -> memref<1980000x8xf32, #tpu.memory_space<hbm>>
      tpu.enqueue_indirect_dma source(%dma_start3A_99 : memref<1980000x8xf32, #tpu.memory_space<hbm>>) target(%dma_start3A_94 : memref<128x8xf32, #tpu.memory_space<vmem>>) offsets(%dma_start3A_96 : memref<128xi32, #tpu.memory_space<vmem>>) semaphore(%arg18 : memref<!tpu.dma_semaphore, #tpu.memory_space<semaphore_mem>>)
      %dma_start3A_100 = arith.constant 640 : i32
      %dma_start3A_101 = arith.constant 0 : i32
      %dma_start3A_102 = tpu.memref_slice %arg15[%dma_start3A_100, %dma_start3A_101] : memref<4608x8xf32, #tpu.memory_space<vmem>> -> memref<128x8xf32, #tpu.memory_space<vmem>>
      %dma_start3A_103 = arith.constant 640 : i32
      %dma_start3A_104 = tpu.memref_slice %arg11[%dma_start3A_103] : memref<4608xi32, #tpu.memory_space<vmem>> -> memref<128xi32, #tpu.memory_space<vmem>>
      %dma_start3A_105 = arith.constant 0 : i32
      %dma_start3A_106 = arith.constant 0 : i32
      %dma_start3A_107 = tpu.memref_slice %arg5[%dma_start3A_105, %dma_start3A_106] : memref<11520000x8xf32, #tpu.memory_space<hbm>> -> memref<11520000x8xf32, #tpu.memory_space<hbm>>
      tpu.enqueue_indirect_dma source(%dma_start3A_107 : memref<11520000x8xf32, #tpu.memory_space<hbm>>) target(%dma_start3A_102 : memref<128x8xf32, #tpu.memory_space<vmem>>) offsets(%dma_start3A_104 : memref<128xi32, #tpu.memory_space<vmem>>) semaphore(%arg18 : memref<!tpu.dma_semaphore, #tpu.memory_space<semaphore_mem>>)
      %dma_start3A_108 = arith.constant 640 : i32
      %dma_start3A_109 = arith.constant 0 : i32
      %dma_start3A_110 = tpu.memref_slice %arg16[%dma_start3A_108, %dma_start3A_109] : memref<4608x8xf32, #tpu.memory_space<vmem>> -> memref<128x8xf32, #tpu.memory_space<vmem>>
      %dma_start3A_111 = arith.constant 640 : i32
      %dma_start3A_112 = tpu.memref_slice %arg12[%dma_start3A_111] : memref<4608xi32, #tpu.memory_space<vmem>> -> memref<128xi32, #tpu.memory_space<vmem>>
      %dma_start3A_113 = arith.constant 0 : i32
      %dma_start3A_114 = arith.constant 0 : i32
      %dma_start3A_115 = tpu.memref_slice %arg6[%dma_start3A_113, %dma_start3A_114] : memref<1980000x8xf32, #tpu.memory_space<hbm>> -> memref<1980000x8xf32, #tpu.memory_space<hbm>>
      tpu.enqueue_indirect_dma source(%dma_start3A_115 : memref<1980000x8xf32, #tpu.memory_space<hbm>>) target(%dma_start3A_110 : memref<128x8xf32, #tpu.memory_space<vmem>>) offsets(%dma_start3A_112 : memref<128xi32, #tpu.memory_space<vmem>>) semaphore(%arg18 : memref<!tpu.dma_semaphore, #tpu.memory_space<semaphore_mem>>)
      %scan3A_116 = arith.constant 0 : i32
      %scan3A_117 = arith.constant 0 : i32
      %scan3A_118 = arith.constant 30 : i32
      %scan3A_119 = arith.addi %scan3A_117, %scan3A_118 : i32
      %scan3A_120 = arith.constant 1 : i32
      %scan3A_121 = scf.for %scan3A_140 = %scan3A_117 to %scan3A_119 step %scan3A_120 iter_args(%scan3A_141 = %scan3A_116) -> (i32)  : i32 {
        %add3A_142 = arith.constant 6 : i32
        %add3A_143 = arith.addi %scan3A_140, %add3A_142 : i32
        %mul3A_144 = arith.constant 128 : i32
        %mul3A_145 = arith.muli %add3A_143, %mul3A_144 : i32
        %mul3A_146 = arith.constant 128 : i32
        %mul3A_147 = arith.muli %add3A_143, %mul3A_146 : i32
        %dma_start3A_148 = arith.constant 0 : i32
        %dma_start3A_149 = tpu.memref_slice %arg15[%mul3A_147, %dma_start3A_148] : memref<4608x8xf32, #tpu.memory_space<vmem>> -> memref<128x8xf32, #tpu.memory_space<vmem>>
        %dma_start3A_150 = tpu.memref_slice %arg11[%mul3A_145] : memref<4608xi32, #tpu.memory_space<vmem>> -> memref<128xi32, #tpu.memory_space<vmem>>
        %dma_start3A_151 = arith.constant 0 : i32
        %dma_start3A_152 = arith.constant 0 : i32
        %dma_start3A_153 = tpu.memref_slice %arg5[%dma_start3A_151, %dma_start3A_152] : memref<11520000x8xf32, #tpu.memory_space<hbm>> -> memref<11520000x8xf32, #tpu.memory_space<hbm>>
        tpu.enqueue_indirect_dma source(%dma_start3A_153 : memref<11520000x8xf32, #tpu.memory_space<hbm>>) target(%dma_start3A_149 : memref<128x8xf32, #tpu.memory_space<vmem>>) offsets(%dma_start3A_150 : memref<128xi32, #tpu.memory_space<vmem>>) semaphore(%arg18 : memref<!tpu.dma_semaphore, #tpu.memory_space<semaphore_mem>>)
        %mul3A_154 = arith.constant 128 : i32
        %mul3A_155 = arith.muli %add3A_143, %mul3A_154 : i32
        %mul3A_156 = arith.constant 128 : i32
        %mul3A_157 = arith.muli %add3A_143, %mul3A_156 : i32
        %dma_start3A_158 = arith.constant 0 : i32
        %dma_start3A_159 = tpu.memref_slice %arg16[%mul3A_157, %dma_start3A_158] : memref<4608x8xf32, #tpu.memory_space<vmem>> -> memref<128x8xf32, #tpu.memory_space<vmem>>
        %dma_start3A_160 = tpu.memref_slice %arg12[%mul3A_155] : memref<4608xi32, #tpu.memory_space<vmem>> -> memref<128xi32, #tpu.memory_space<vmem>>
        %dma_start3A_161 = arith.constant 0 : i32
        %dma_start3A_162 = arith.constant 0 : i32
        %dma_start3A_163 = tpu.memref_slice %arg6[%dma_start3A_161, %dma_start3A_162] : memref<1980000x8xf32, #tpu.memory_space<hbm>> -> memref<1980000x8xf32, #tpu.memory_space<hbm>>
        tpu.enqueue_indirect_dma source(%dma_start3A_163 : memref<1980000x8xf32, #tpu.memory_space<hbm>>) target(%dma_start3A_159 : memref<128x8xf32, #tpu.memory_space<vmem>>) offsets(%dma_start3A_160 : memref<128xi32, #tpu.memory_space<vmem>>) semaphore(%arg18 : memref<!tpu.dma_semaphore, #tpu.memory_space<semaphore_mem>>)
        %mul3A_164 = arith.constant 128 : i32
        %mul3A_165 = arith.muli %scan3A_140, %mul3A_164 : i32
        %mul3A_166 = arith.constant 128 : i32
        %mul3A_167 = arith.muli %scan3A_140, %mul3A_166 : i32
        %dma_wait3A = arith.constant 0 : i32
        %dma_wait3A_168 = tpu.memref_slice %arg15[%mul3A_167, %dma_wait3A] : memref<4608x8xf32, #tpu.memory_space<vmem>> -> memref<128x8xf32, #tpu.memory_space<vmem>>
        %dma_wait3A_169 = tpu.memref_slice %arg11[%mul3A_165] : memref<4608xi32, #tpu.memory_space<vmem>> -> memref<128xi32, #tpu.memory_space<vmem>>
        %dma_wait3A_170 = arith.constant 0 : i32
        %dma_wait3A_171 = arith.constant 0 : i32
        %dma_wait3A_172 = tpu.memref_slice %arg5[%dma_wait3A_170, %dma_wait3A_171] : memref<11520000x8xf32, #tpu.memory_space<hbm>> -> memref<11520000x8xf32, #tpu.memory_space<hbm>>
        tpu.wait_indirect_dma semaphore(%arg18 : memref<!tpu.dma_semaphore, #tpu.memory_space<semaphore_mem>>) src(%dma_wait3A_172 : memref<11520000x8xf32, #tpu.memory_space<hbm>>) dst(%dma_wait3A_168 : memref<128x8xf32, #tpu.memory_space<vmem>>)
        %mul3A_173 = arith.constant 128 : i32
        %mul3A_174 = arith.muli %scan3A_140, %mul3A_173 : i32
        %mul3A_175 = arith.constant 128 : i32
        %mul3A_176 = arith.muli %scan3A_140, %mul3A_175 : i32
        %dma_wait3A_177 = arith.constant 0 : i32
        %dma_wait3A_178 = tpu.memref_slice %arg16[%mul3A_176, %dma_wait3A_177] : memref<4608x8xf32, #tpu.memory_space<vmem>> -> memref<128x8xf32, #tpu.memory_space<vmem>>
        %dma_wait3A_179 = tpu.memref_slice %arg12[%mul3A_174] : memref<4608xi32, #tpu.memory_space<vmem>> -> memref<128xi32, #tpu.memory_space<vmem>>
        %dma_wait3A_180 = arith.constant 0 : i32
        %dma_wait3A_181 = arith.constant 0 : i32
        %dma_wait3A_182 = tpu.memref_slice %arg6[%dma_wait3A_180, %dma_wait3A_181] : memref<1980000x8xf32, #tpu.memory_space<hbm>> -> memref<1980000x8xf32, #tpu.memory_space<hbm>>
        tpu.wait_indirect_dma semaphore(%arg18 : memref<!tpu.dma_semaphore, #tpu.memory_space<semaphore_mem>>) src(%dma_wait3A_182 : memref<1980000x8xf32, #tpu.memory_space<hbm>>) dst(%dma_wait3A_178 : memref<128x8xf32, #tpu.memory_space<vmem>>)
        %scan3A_183 = arith.constant 0 : i32
        scf.yield %scan3A_183 : i32
      }
      %scan3A_122 = arith.constant 30 : i32
      %scan3A_123 = arith.constant 0 : i32
      %scan3A_124 = arith.constant 30 : i32
      %scan3A_125 = arith.constant 6 : i32
      %scan3A_126 = arith.addi %scan3A_124, %scan3A_125 : i32
      %scan3A_127 = arith.constant 1 : i32
      %scan3A_128 = scf.for %scan3A_140 = %scan3A_124 to %scan3A_126 step %scan3A_127 iter_args(%scan3A_141 = %scan3A_123) -> (i32)  : i32 {
        %mul3A_142 = arith.constant 128 : i32
        %mul3A_143 = arith.muli %scan3A_140, %mul3A_142 : i32
        %mul3A_144 = arith.constant 128 : i32
        %mul3A_145 = arith.muli %scan3A_140, %mul3A_144 : i32
        %dma_wait3A = arith.constant 0 : i32
        %dma_wait3A_146 = tpu.memref_slice %arg15[%mul3A_145, %dma_wait3A] : memref<4608x8xf32, #tpu.memory_space<vmem>> -> memref<128x8xf32, #tpu.memory_space<vmem>>
        %dma_wait3A_147 = tpu.memref_slice %arg11[%mul3A_143] : memref<4608xi32, #tpu.memory_space<vmem>> -> memref<128xi32, #tpu.memory_space<vmem>>
        %dma_wait3A_148 = arith.constant 0 : i32
        %dma_wait3A_149 = arith.constant 0 : i32
        %dma_wait3A_150 = tpu.memref_slice %arg5[%dma_wait3A_148, %dma_wait3A_149] : memref<11520000x8xf32, #tpu.memory_space<hbm>> -> memref<11520000x8xf32, #tpu.memory_space<hbm>>
        tpu.wait_indirect_dma semaphore(%arg18 : memref<!tpu.dma_semaphore, #tpu.memory_space<semaphore_mem>>) src(%dma_wait3A_150 : memref<11520000x8xf32, #tpu.memory_space<hbm>>) dst(%dma_wait3A_146 : memref<128x8xf32, #tpu.memory_space<vmem>>)
        %mul3A_151 = arith.constant 128 : i32
        %mul3A_152 = arith.muli %scan3A_140, %mul3A_151 : i32
        %mul3A_153 = arith.constant 128 : i32
        %mul3A_154 = arith.muli %scan3A_140, %mul3A_153 : i32
        %dma_wait3A_155 = arith.constant 0 : i32
        %dma_wait3A_156 = tpu.memref_slice %arg16[%mul3A_154, %dma_wait3A_155] : memref<4608x8xf32, #tpu.memory_space<vmem>> -> memref<128x8xf32, #tpu.memory_space<vmem>>
        %dma_wait3A_157 = tpu.memref_slice %arg12[%mul3A_152] : memref<4608xi32, #tpu.memory_space<vmem>> -> memref<128xi32, #tpu.memory_space<vmem>>
        %dma_wait3A_158 = arith.constant 0 : i32
        %dma_wait3A_159 = arith.constant 0 : i32
        %dma_wait3A_160 = tpu.memref_slice %arg6[%dma_wait3A_158, %dma_wait3A_159] : memref<1980000x8xf32, #tpu.memory_space<hbm>> -> memref<1980000x8xf32, #tpu.memory_space<hbm>>
        tpu.wait_indirect_dma semaphore(%arg18 : memref<!tpu.dma_semaphore, #tpu.memory_space<semaphore_mem>>) src(%dma_wait3A_160 : memref<1980000x8xf32, #tpu.memory_space<hbm>>) dst(%dma_wait3A_156 : memref<128x8xf32, #tpu.memory_space<vmem>>)
        %scan3A_161 = arith.constant 0 : i32
        scf.yield %scan3A_161 : i32
      }
      %scan3A_129 = arith.constant 6 : i32
      %scan3A_130 = arith.constant 0 : i32
      %scan3A_131 = arith.constant 0 : i32
      %scan3A_132 = arith.constant 16 : i32
      %scan3A_133 = arith.addi %scan3A_131, %scan3A_132 : i32
      %scan3A_134 = arith.constant 1 : i32
      %scan3A_135 = scf.for %scan3A_140 = %scan3A_131 to %scan3A_133 step %scan3A_134 iter_args(%scan3A_141 = %scan3A_130) -> (i32)  : i32 {
        %mul3A_142 = arith.constant 16 : i32
        %mul3A_143 = arith.muli %scan3A_140, %mul3A_142 : i32
        %add3A_144 = vector.broadcast %mul3A_143 : i32 to vector<16xi32>
        %add3A_145 = arith.addi %iota3A, %add3A_144 : vector<16xi32>
        %mul3A_146 = arith.constant 18 : i32
        %mul3A_147 = vector.broadcast %mul3A_146 : i32 to vector<16xi32>
        %mul3A_148 = arith.muli %add3A_145, %mul3A_147 : vector<16xi32>
        %get3A = arith.index_cast %mul3A_143 : i32 to index
        %get3A_149 = tpu.vector_load %arg13[%get3A] {strides = array<i32>} : memref<256xi32, #tpu.memory_space<vmem>>, vector<16xi32>,
        %get3A_150 = arith.index_cast %mul3A_143 : i32 to index
        %get3A_151 = tpu.vector_load %arg14[%get3A_150] {strides = array<i32>} : memref<256xi32, #tpu.memory_space<vmem>>, vector<16xi32>,
        %gt3A = arith.constant 0 : i32
        %gt3A_152 = vector.broadcast %gt3A : i32 to vector<16xi32>
        %gt3A_153 = arith.cmpi sgt, %get3A_151, %gt3A_152 : vector<16xi32>
        %add3A_154 = arith.constant 0 : i32
        %add3A_155 = vector.broadcast %add3A_154 : i32 to vector<16xi32>
        %add3A_156 = arith.addi %mul3A_148, %add3A_155 : vector<16xi32>
        %gather3A = tpu.vector_load_idx %arg15[%add3A_156, %get3A_149] : memref<4608x8xf32, #tpu.memory_space<vmem>>[vector<16xi32>, vector<16xi32>], vector<16xf32>,
        %add3A_157 = arith.constant 0 : i32
        %add3A_158 = vector.broadcast %add3A_157 : i32 to vector<16xi32>
        %add3A_159 = arith.addi %mul3A_148, %add3A_158 : vector<16xi32>
        %gather3A_160 = tpu.vector_load_idx %arg16[%add3A_159, %get3A_149] : memref<4608x8xf32, #tpu.memory_space<vmem>>[vector<16xi32>, vector<16xi32>], vector<16xf32>,
        %add3A_161 = arith.constant 0 : i32
        %add3A_162 = vector.broadcast %add3A_161 : i32 to vector<16xi32>
        %add3A_163 = arith.addi %mul3A_148, %add3A_162 : vector<16xi32>
        %select_n3A = arith.select %gt3A_153, %gather3A, %gather3A_160 : vector<16xi1>, vector<16xf32>
        tpu.vector_store_idx %arg17[%add3A_163], %select_n3A : memref<4608xf32, #tpu.memory_space<vmem>>[vector<16xi32>], vector<16xf32>,
        %add3A_164 = arith.constant 1 : i32
        %add3A_165 = vector.broadcast %add3A_164 : i32 to vector<16xi32>
        %add3A_166 = arith.addi %mul3A_148, %add3A_165 : vector<16xi32>
        %gather3A_167 = tpu.vector_load_idx %arg15[%add3A_166, %get3A_149] : memref<4608x8xf32, #tpu.memory_space<vmem>>[vector<16xi32>, vector<16xi32>], vector<16xf32>,
        %add3A_168 = arith.constant 1 : i32
        %add3A_169 = vector.broadcast %add3A_168 : i32 to vector<16xi32>
        %add3A_170 = arith.addi %mul3A_148, %add3A_169 : vector<16xi32>
        %gather3A_171 = tpu.vector_load_idx %arg16[%add3A_170, %get3A_149] : memref<4608x8xf32, #tpu.memory_space<vmem>>[vector<16xi32>, vector<16xi32>], vector<16xf32>,
        %add3A_172 = arith.constant 1 : i32
        %add3A_173 = vector.broadcast %add3A_172 : i32 to vector<16xi32>
        %add3A_174 = arith.addi %mul3A_148, %add3A_173 : vector<16xi32>
        %select_n3A_175 = arith.select %gt3A_153, %gather3A_167, %gather3A_171 : vector<16xi1>, vector<16xf32>
        tpu.vector_store_idx %arg17[%add3A_174], %select_n3A_175 : memref<4608xf32, #tpu.memory_space<vmem>>[vector<16xi32>], vector<16xf32>,
        %add3A_176 = arith.constant 2 : i32
        %add3A_177 = vector.broadcast %add3A_176 : i32 to vector<16xi32>
        %add3A_178 = arith.addi %mul3A_148, %add3A_177 : vector<16xi32>
        %gather3A_179 = tpu.vector_load_idx %arg15[%add3A_178, %get3A_149] : memref<4608x8xf32, #tpu.memory_space<vmem>>[vector<16xi32>, vector<16xi32>], vector<16xf32>,
        %add3A_180 = arith.constant 2 : i32
        %add3A_181 = vector.broadcast %add3A_180 : i32 to vector<16xi32>
        %add3A_182 = arith.addi %mul3A_148, %add3A_181 : vector<16xi32>
        %gather3A_183 = tpu.vector_load_idx %arg16[%add3A_182, %get3A_149] : memref<4608x8xf32, #tpu.memory_space<vmem>>[vector<16xi32>, vector<16xi32>], vector<16xf32>,
        %add3A_184 = arith.constant 2 : i32
        %add3A_185 = vector.broadcast %add3A_184 : i32 to vector<16xi32>
        %add3A_186 = arith.addi %mul3A_148, %add3A_185 : vector<16xi32>
        %select_n3A_187 = arith.select %gt3A_153, %gather3A_179, %gather3A_183 : vector<16xi1>, vector<16xf32>
        tpu.vector_store_idx %arg17[%add3A_186], %select_n3A_187 : memref<4608xf32, #tpu.memory_space<vmem>>[vector<16xi32>], vector<16xf32>,
        %add3A_188 = arith.constant 3 : i32
        %add3A_189 = vector.broadcast %add3A_188 : i32 to vector<16xi32>
        %add3A_190 = arith.addi %mul3A_148, %add3A_189 : vector<16xi32>
        %gather3A_191 = tpu.vector_load_idx %arg15[%add3A_190, %get3A_149] : memref<4608x8xf32, #tpu.memory_space<vmem>>[vector<16xi32>, vector<16xi32>], vector<16xf32>,
        %add3A_192 = arith.constant 3 : i32
        %add3A_193 = vector.broadcast %add3A_192 : i32 to vector<16xi32>
        %add3A_194 = arith.addi %mul3A_148, %add3A_193 : vector<16xi32>
        %gather3A_195 = tpu.vector_load_idx %arg16[%add3A_194, %get3A_149] : memref<4608x8xf32, #tpu.memory_space<vmem>>[vector<16xi32>, vector<16xi32>], vector<16xf32>,
        %add3A_196 = arith.constant 3 : i32
        %add3A_197 = vector.broadcast %add3A_196 : i32 to vector<16xi32>
        %add3A_198 = arith.addi %mul3A_148, %add3A_197 : vector<16xi32>
        %select_n3A_199 = arith.select %gt3A_153, %gather3A_191, %gather3A_195 : vector<16xi1>, vector<16xf32>
        tpu.vector_store_idx %arg17[%add3A_198], %select_n3A_199 : memref<4608xf32, #tpu.memory_space<vmem>>[vector<16xi32>], vector<16xf32>,
        %add3A_200 = arith.constant 4 : i32
        %add3A_201 = vector.broadcast %add3A_200 : i32 to vector<16xi32>
        %add3A_202 = arith.addi %mul3A_148, %add3A_201 : vector<16xi32>
        %gather3A_203 = tpu.vector_load_idx %arg15[%add3A_202, %get3A_149] : memref<4608x8xf32, #tpu.memory_space<vmem>>[vector<16xi32>, vector<16xi32>], vector<16xf32>,
        %add3A_204 = arith.constant 4 : i32
        %add3A_205 = vector.broadcast %add3A_204 : i32 to vector<16xi32>
        %add3A_206 = arith.addi %mul3A_148, %add3A_205 : vector<16xi32>
        %gather3A_207 = tpu.vector_load_idx %arg16[%add3A_206, %get3A_149] : memref<4608x8xf32, #tpu.memory_space<vmem>>[vector<16xi32>, vector<16xi32>], vector<16xf32>,
        %add3A_208 = arith.constant 4 : i32
        %add3A_209 = vector.broadcast %add3A_208 : i32 to vector<16xi32>
        %add3A_210 = arith.addi %mul3A_148, %add3A_209 : vector<16xi32>
        %select_n3A_211 = arith.select %gt3A_153, %gather3A_203, %gather3A_207 : vector<16xi1>, vector<16xf32>
        tpu.vector_store_idx %arg17[%add3A_210], %select_n3A_211 : memref<4608xf32, #tpu.memory_space<vmem>>[vector<16xi32>], vector<16xf32>,
        %add3A_212 = arith.constant 5 : i32
        %add3A_213 = vector.broadcast %add3A_212 : i32 to vector<16xi32>
        %add3A_214 = arith.addi %mul3A_148, %add3A_213 : vector<16xi32>
        %gather3A_215 = tpu.vector_load_idx %arg15[%add3A_214, %get3A_149] : memref<4608x8xf32, #tpu.memory_space<vmem>>[vector<16xi32>, vector<16xi32>], vector<16xf32>,
        %add3A_216 = arith.constant 5 : i32
        %add3A_217 = vector.broadcast %add3A_216 : i32 to vector<16xi32>
        %add3A_218 = arith.addi %mul3A_148, %add3A_217 : vector<16xi32>
        %gather3A_219 = tpu.vector_load_idx %arg16[%add3A_218, %get3A_149] : memref<4608x8xf32, #tpu.memory_space<vmem>>[vector<16xi32>, vector<16xi32>], vector<16xf32>,
        %add3A_220 = arith.constant 5 : i32
        %add3A_221 = vector.broadcast %add3A_220 : i32 to vector<16xi32>
        %add3A_222 = arith.addi %mul3A_148, %add3A_221 : vector<16xi32>
        %select_n3A_223 = arith.select %gt3A_153, %gather3A_215, %gather3A_219 : vector<16xi1>, vector<16xf32>
        tpu.vector_store_idx %arg17[%add3A_222], %select_n3A_223 : memref<4608xf32, #tpu.memory_space<vmem>>[vector<16xi32>], vector<16xf32>,
        %add3A_224 = arith.constant 6 : i32
        %add3A_225 = vector.broadcast %add3A_224 : i32 to vector<16xi32>
        %add3A_226 = arith.addi %mul3A_148, %add3A_225 : vector<16xi32>
        %gather3A_227 = tpu.vector_load_idx %arg15[%add3A_226, %get3A_149] : memref<4608x8xf32, #tpu.memory_space<vmem>>[vector<16xi32>, vector<16xi32>], vector<16xf32>,
        %add3A_228 = arith.constant 6 : i32
        %add3A_229 = vector.broadcast %add3A_228 : i32 to vector<16xi32>
        %add3A_230 = arith.addi %mul3A_148, %add3A_229 : vector<16xi32>
        %gather3A_231 = tpu.vector_load_idx %arg16[%add3A_230, %get3A_149] : memref<4608x8xf32, #tpu.memory_space<vmem>>[vector<16xi32>, vector<16xi32>], vector<16xf32>,
        %add3A_232 = arith.constant 6 : i32
        %add3A_233 = vector.broadcast %add3A_232 : i32 to vector<16xi32>
        %add3A_234 = arith.addi %mul3A_148, %add3A_233 : vector<16xi32>
        %select_n3A_235 = arith.select %gt3A_153, %gather3A_227, %gather3A_231 : vector<16xi1>, vector<16xf32>
        tpu.vector_store_idx %arg17[%add3A_234], %select_n3A_235 : memref<4608xf32, #tpu.memory_space<vmem>>[vector<16xi32>], vector<16xf32>,
        %add3A_236 = arith.constant 7 : i32
        %add3A_237 = vector.broadcast %add3A_236 : i32 to vector<16xi32>
        %add3A_238 = arith.addi %mul3A_148, %add3A_237 : vector<16xi32>
        %gather3A_239 = tpu.vector_load_idx %arg15[%add3A_238, %get3A_149] : memref<4608x8xf32, #tpu.memory_space<vmem>>[vector<16xi32>, vector<16xi32>], vector<16xf32>,
        %add3A_240 = arith.constant 7 : i32
        %add3A_241 = vector.broadcast %add3A_240 : i32 to vector<16xi32>
        %add3A_242 = arith.addi %mul3A_148, %add3A_241 : vector<16xi32>
        %gather3A_243 = tpu.vector_load_idx %arg16[%add3A_242, %get3A_149] : memref<4608x8xf32, #tpu.memory_space<vmem>>[vector<16xi32>, vector<16xi32>], vector<16xf32>,
        %add3A_244 = arith.constant 7 : i32
        %add3A_245 = vector.broadcast %add3A_244 : i32 to vector<16xi32>
        %add3A_246 = arith.addi %mul3A_148, %add3A_245 : vector<16xi32>
        %select_n3A_247 = arith.select %gt3A_153, %gather3A_239, %gather3A_243 : vector<16xi1>, vector<16xf32>
        tpu.vector_store_idx %arg17[%add3A_246], %select_n3A_247 : memref<4608xf32, #tpu.memory_space<vmem>>[vector<16xi32>], vector<16xf32>,
        %add3A_248 = arith.constant 8 : i32
        %add3A_249 = vector.broadcast %add3A_248 : i32 to vector<16xi32>
        %add3A_250 = arith.addi %mul3A_148, %add3A_249 : vector<16xi32>
        %gather3A_251 = tpu.vector_load_idx %arg15[%add3A_250, %get3A_149] : memref<4608x8xf32, #tpu.memory_space<vmem>>[vector<16xi32>, vector<16xi32>], vector<16xf32>,
        %add3A_252 = arith.constant 8 : i32
        %add3A_253 = vector.broadcast %add3A_252 : i32 to vector<16xi32>
        %add3A_254 = arith.addi %mul3A_148, %add3A_253 : vector<16xi32>
        %gather3A_255 = tpu.vector_load_idx %arg16[%add3A_254, %get3A_149] : memref<4608x8xf32, #tpu.memory_space<vmem>>[vector<16xi32>, vector<16xi32>], vector<16xf32>,
        %add3A_256 = arith.constant 8 : i32
        %add3A_257 = vector.broadcast %add3A_256 : i32 to vector<16xi32>
        %add3A_258 = arith.addi %mul3A_148, %add3A_257 : vector<16xi32>
        %select_n3A_259 = arith.select %gt3A_153, %gather3A_251, %gather3A_255 : vector<16xi1>, vector<16xf32>
        tpu.vector_store_idx %arg17[%add3A_258], %select_n3A_259 : memref<4608xf32, #tpu.memory_space<vmem>>[vector<16xi32>], vector<16xf32>,
        %add3A_260 = arith.constant 9 : i32
        %add3A_261 = vector.broadcast %add3A_260 : i32 to vector<16xi32>
        %add3A_262 = arith.addi %mul3A_148, %add3A_261 : vector<16xi32>
        %gather3A_263 = tpu.vector_load_idx %arg15[%add3A_262, %get3A_149] : memref<4608x8xf32, #tpu.memory_space<vmem>>[vector<16xi32>, vector<16xi32>], vector<16xf32>,
        %add3A_264 = arith.constant 9 : i32
        %add3A_265 = vector.broadcast %add3A_264 : i32 to vector<16xi32>
        %add3A_266 = arith.addi %mul3A_148, %add3A_265 : vector<16xi32>
        %gather3A_267 = tpu.vector_load_idx %arg16[%add3A_266, %get3A_149] : memref<4608x8xf32, #tpu.memory_space<vmem>>[vector<16xi32>, vector<16xi32>], vector<16xf32>,
        %add3A_268 = arith.constant 9 : i32
        %add3A_269 = vector.broadcast %add3A_268 : i32 to vector<16xi32>
        %add3A_270 = arith.addi %mul3A_148, %add3A_269 : vector<16xi32>
        %select_n3A_271 = arith.select %gt3A_153, %gather3A_263, %gather3A_267 : vector<16xi1>, vector<16xf32>
        tpu.vector_store_idx %arg17[%add3A_270], %select_n3A_271 : memref<4608xf32, #tpu.memory_space<vmem>>[vector<16xi32>], vector<16xf32>,
        %add3A_272 = arith.constant 10 : i32
        %add3A_273 = vector.broadcast %add3A_272 : i32 to vector<16xi32>
        %add3A_274 = arith.addi %mul3A_148, %add3A_273 : vector<16xi32>
        %gather3A_275 = tpu.vector_load_idx %arg15[%add3A_274, %get3A_149] : memref<4608x8xf32, #tpu.memory_space<vmem>>[vector<16xi32>, vector<16xi32>], vector<16xf32>,
        %add3A_276 = arith.constant 10 : i32
        %add3A_277 = vector.broadcast %add3A_276 : i32 to vector<16xi32>
        %add3A_278 = arith.addi %mul3A_148, %add3A_277 : vector<16xi32>
        %gather3A_279 = tpu.vector_load_idx %arg16[%add3A_278, %get3A_149] : memref<4608x8xf32, #tpu.memory_space<vmem>>[vector<16xi32>, vector<16xi32>], vector<16xf32>,
        %add3A_280 = arith.constant 10 : i32
        %add3A_281 = vector.broadcast %add3A_280 : i32 to vector<16xi32>
        %add3A_282 = arith.addi %mul3A_148, %add3A_281 : vector<16xi32>
        %select_n3A_283 = arith.select %gt3A_153, %gather3A_275, %gather3A_279 : vector<16xi1>, vector<16xf32>
        tpu.vector_store_idx %arg17[%add3A_282], %select_n3A_283 : memref<4608xf32, #tpu.memory_space<vmem>>[vector<16xi32>], vector<16xf32>,
        %add3A_284 = arith.constant 11 : i32
        %add3A_285 = vector.broadcast %add3A_284 : i32 to vector<16xi32>
        %add3A_286 = arith.addi %mul3A_148, %add3A_285 : vector<16xi32>
        %gather3A_287 = tpu.vector_load_idx %arg15[%add3A_286, %get3A_149] : memref<4608x8xf32, #tpu.memory_space<vmem>>[vector<16xi32>, vector<16xi32>], vector<16xf32>,
        %add3A_288 = arith.constant 11 : i32
        %add3A_289 = vector.broadcast %add3A_288 : i32 to vector<16xi32>
        %add3A_290 = arith.addi %mul3A_148, %add3A_289 : vector<16xi32>
        %gather3A_291 = tpu.vector_load_idx %arg16[%add3A_290, %get3A_149] : memref<4608x8xf32, #tpu.memory_space<vmem>>[vector<16xi32>, vector<16xi32>], vector<16xf32>,
        %add3A_292 = arith.constant 11 : i32
        %add3A_293 = vector.broadcast %add3A_292 : i32 to vector<16xi32>
        %add3A_294 = arith.addi %mul3A_148, %add3A_293 : vector<16xi32>
        %select_n3A_295 = arith.select %gt3A_153, %gather3A_287, %gather3A_291 : vector<16xi1>, vector<16xf32>
        tpu.vector_store_idx %arg17[%add3A_294], %select_n3A_295 : memref<4608xf32, #tpu.memory_space<vmem>>[vector<16xi32>], vector<16xf32>,
        %add3A_296 = arith.constant 12 : i32
        %add3A_297 = vector.broadcast %add3A_296 : i32 to vector<16xi32>
        %add3A_298 = arith.addi %mul3A_148, %add3A_297 : vector<16xi32>
        %gather3A_299 = tpu.vector_load_idx %arg15[%add3A_298, %get3A_149] : memref<4608x8xf32, #tpu.memory_space<vmem>>[vector<16xi32>, vector<16xi32>], vector<16xf32>,
        %add3A_300 = arith.constant 12 : i32
        %add3A_301 = vector.broadcast %add3A_300 : i32 to vector<16xi32>
        %add3A_302 = arith.addi %mul3A_148, %add3A_301 : vector<16xi32>
        %gather3A_303 = tpu.vector_load_idx %arg16[%add3A_302, %get3A_149] : memref<4608x8xf32, #tpu.memory_space<vmem>>[vector<16xi32>, vector<16xi32>], vector<16xf32>,
        %add3A_304 = arith.constant 12 : i32
        %add3A_305 = vector.broadcast %add3A_304 : i32 to vector<16xi32>
        %add3A_306 = arith.addi %mul3A_148, %add3A_305 : vector<16xi32>
        %select_n3A_307 = arith.select %gt3A_153, %gather3A_299, %gather3A_303 : vector<16xi1>, vector<16xf32>
        tpu.vector_store_idx %arg17[%add3A_306], %select_n3A_307 : memref<4608xf32, #tpu.memory_space<vmem>>[vector<16xi32>], vector<16xf32>,
        %add3A_308 = arith.constant 13 : i32
        %add3A_309 = vector.broadcast %add3A_308 : i32 to vector<16xi32>
        %add3A_310 = arith.addi %mul3A_148, %add3A_309 : vector<16xi32>
        %gather3A_311 = tpu.vector_load_idx %arg15[%add3A_310, %get3A_149] : memref<4608x8xf32, #tpu.memory_space<vmem>>[vector<16xi32>, vector<16xi32>], vector<16xf32>,
        %add3A_312 = arith.constant 13 : i32
        %add3A_313 = vector.broadcast %add3A_312 : i32 to vector<16xi32>
        %add3A_314 = arith.addi %mul3A_148, %add3A_313 : vector<16xi32>
        %gather3A_315 = tpu.vector_load_idx %arg16[%add3A_314, %get3A_149] : memref<4608x8xf32, #tpu.memory_space<vmem>>[vector<16xi32>, vector<16xi32>], vector<16xf32>,
        %add3A_316 = arith.constant 13 : i32
        %add3A_317 = vector.broadcast %add3A_316 : i32 to vector<16xi32>
        %add3A_318 = arith.addi %mul3A_148, %add3A_317 : vector<16xi32>
        %select_n3A_319 = arith.select %gt3A_153, %gather3A_311, %gather3A_315 : vector<16xi1>, vector<16xf32>
        tpu.vector_store_idx %arg17[%add3A_318], %select_n3A_319 : memref<4608xf32, #tpu.memory_space<vmem>>[vector<16xi32>], vector<16xf32>,
        %add3A_320 = arith.constant 14 : i32
        %add3A_321 = vector.broadcast %add3A_320 : i32 to vector<16xi32>
        %add3A_322 = arith.addi %mul3A_148, %add3A_321 : vector<16xi32>
        %gather3A_323 = tpu.vector_load_idx %arg15[%add3A_322, %get3A_149] : memref<4608x8xf32, #tpu.memory_space<vmem>>[vector<16xi32>, vector<16xi32>], vector<16xf32>,
        %add3A_324 = arith.constant 14 : i32
        %add3A_325 = vector.broadcast %add3A_324 : i32 to vector<16xi32>
        %add3A_326 = arith.addi %mul3A_148, %add3A_325 : vector<16xi32>
        %gather3A_327 = tpu.vector_load_idx %arg16[%add3A_326, %get3A_149] : memref<4608x8xf32, #tpu.memory_space<vmem>>[vector<16xi32>, vector<16xi32>], vector<16xf32>,
        %add3A_328 = arith.constant 14 : i32
        %add3A_329 = vector.broadcast %add3A_328 : i32 to vector<16xi32>
        %add3A_330 = arith.addi %mul3A_148, %add3A_329 : vector<16xi32>
        %select_n3A_331 = arith.select %gt3A_153, %gather3A_323, %gather3A_327 : vector<16xi1>, vector<16xf32>
        tpu.vector_store_idx %arg17[%add3A_330], %select_n3A_331 : memref<4608xf32, #tpu.memory_space<vmem>>[vector<16xi32>], vector<16xf32>,
        %add3A_332 = arith.constant 15 : i32
        %add3A_333 = vector.broadcast %add3A_332 : i32 to vector<16xi32>
        %add3A_334 = arith.addi %mul3A_148, %add3A_333 : vector<16xi32>
        %gather3A_335 = tpu.vector_load_idx %arg15[%add3A_334, %get3A_149] : memref<4608x8xf32, #tpu.memory_space<vmem>>[vector<16xi32>, vector<16xi32>], vector<16xf32>,
        %add3A_336 = arith.constant 15 : i32
        %add3A_337 = vector.broadcast %add3A_336 : i32 to vector<16xi32>
        %add3A_338 = arith.addi %mul3A_148, %add3A_337 : vector<16xi32>
        %gather3A_339 = tpu.vector_load_idx %arg16[%add3A_338, %get3A_149] : memref<4608x8xf32, #tpu.memory_space<vmem>>[vector<16xi32>, vector<16xi32>], vector<16xf32>,
        %add3A_340 = arith.constant 15 : i32
        %add3A_341 = vector.broadcast %add3A_340 : i32 to vector<16xi32>
        %add3A_342 = arith.addi %mul3A_148, %add3A_341 : vector<16xi32>
        %select_n3A_343 = arith.select %gt3A_153, %gather3A_335, %gather3A_339 : vector<16xi1>, vector<16xf32>
        tpu.vector_store_idx %arg17[%add3A_342], %select_n3A_343 : memref<4608xf32, #tpu.memory_space<vmem>>[vector<16xi32>], vector<16xf32>,
        %add3A_344 = arith.constant 16 : i32
        %add3A_345 = vector.broadcast %add3A_344 : i32 to vector<16xi32>
        %add3A_346 = arith.addi %mul3A_148, %add3A_345 : vector<16xi32>
        %gather3A_347 = tpu.vector_load_idx %arg15[%add3A_346, %get3A_149] : memref<4608x8xf32, #tpu.memory_space<vmem>>[vector<16xi32>, vector<16xi32>], vector<16xf32>,
        %add3A_348 = arith.constant 16 : i32
        %add3A_349 = vector.broadcast %add3A_348 : i32 to vector<16xi32>
        %add3A_350 = arith.addi %mul3A_148, %add3A_349 : vector<16xi32>
        %gather3A_351 = tpu.vector_load_idx %arg16[%add3A_350, %get3A_149] : memref<4608x8xf32, #tpu.memory_space<vmem>>[vector<16xi32>, vector<16xi32>], vector<16xf32>,
        %add3A_352 = arith.constant 16 : i32
        %add3A_353 = vector.broadcast %add3A_352 : i32 to vector<16xi32>
        %add3A_354 = arith.addi %mul3A_148, %add3A_353 : vector<16xi32>
        %select_n3A_355 = arith.select %gt3A_153, %gather3A_347, %gather3A_351 : vector<16xi1>, vector<16xf32>
        tpu.vector_store_idx %arg17[%add3A_354], %select_n3A_355 : memref<4608xf32, #tpu.memory_space<vmem>>[vector<16xi32>], vector<16xf32>,
        %add3A_356 = arith.constant 17 : i32
        %add3A_357 = vector.broadcast %add3A_356 : i32 to vector<16xi32>
        %add3A_358 = arith.addi %mul3A_148, %add3A_357 : vector<16xi32>
        %gather3A_359 = tpu.vector_load_idx %arg15[%add3A_358, %get3A_149] : memref<4608x8xf32, #tpu.memory_space<vmem>>[vector<16xi32>, vector<16xi32>], vector<16xf32>,
        %add3A_360 = arith.constant 17 : i32
        %add3A_361 = vector.broadcast %add3A_360 : i32 to vector<16xi32>
        %add3A_362 = arith.addi %mul3A_148, %add3A_361 : vector<16xi32>
        %gather3A_363 = tpu.vector_load_idx %arg16[%add3A_362, %get3A_149] : memref<4608x8xf32, #tpu.memory_space<vmem>>[vector<16xi32>, vector<16xi32>], vector<16xf32>,
        %add3A_364 = arith.constant 17 : i32
        %add3A_365 = vector.broadcast %add3A_364 : i32 to vector<16xi32>
        %add3A_366 = arith.addi %mul3A_148, %add3A_365 : vector<16xi32>
        %select_n3A_367 = arith.select %gt3A_153, %gather3A_359, %gather3A_363 : vector<16xi1>, vector<16xf32>
        tpu.vector_store_idx %arg17[%add3A_366], %select_n3A_367 : memref<4608xf32, #tpu.memory_space<vmem>>[vector<16xi32>], vector<16xf32>,
        %scan3A_368 = arith.constant 0 : i32
        scf.yield %scan3A_368 : i32
      }
      %scan3A_136 = arith.constant 16 : i32
      %mul3A_137 = arith.constant 18 : i32
      %mul3A_138 = arith.muli %add3A_13, %mul3A_137 : i32
      "tpu.region"() ({
        %run_scoped3A = tpu.sem_alloc : memref<!tpu.dma_semaphore, #tpu.memory_space<semaphore_mem>>
        %dma_start3A_140 = tpu.memref_slice %arg7[%mul3A_138] : memref<4718592xf32, #tpu.memory_space<hbm>> -> memref<4608xf32, #tpu.memory_space<hbm>>
        %dma_start3A_141 = tpu.memref_slice %arg7[%mul3A_138] : memref<4718592xf32, #tpu.memory_space<hbm>> -> memref<4608xf32, #tpu.memory_space<hbm>>
        tpu.enqueue_dma source(%arg17 : memref<4608xf32, #tpu.memory_space<vmem>>) target(%dma_start3A_141 : memref<4608xf32, #tpu.memory_space<hbm>>) target_semaphore(%run_scoped3A : memref<!tpu.dma_semaphore, #tpu.memory_space<semaphore_mem>>)
        %dma_wait3A = tpu.memref_slice %arg7[%mul3A_138] : memref<4718592xf32, #tpu.memory_space<hbm>> -> memref<4608xf32, #tpu.memory_space<hbm>>
        %dma_wait3A_142 = tpu.memref_slice %arg7[%mul3A_138] : memref<4718592xf32, #tpu.memory_space<hbm>> -> memref<4608xf32, #tpu.memory_space<hbm>>
        tpu.wait_dma2 semaphore(%run_scoped3A : memref<!tpu.dma_semaphore, #tpu.memory_space<semaphore_mem>>) src(%arg17 : memref<4608xf32, #tpu.memory_space<vmem>>) dst(%dma_wait3A_142 : memref<4608xf32, #tpu.memory_space<hbm>>)
        tpu.yield
      }) : () -> ()
      %scan3A_139 = arith.constant 0 : i32
      scf.yield %scan3A_139 : i32
    }
    %scan3A_6 = arith.constant 32 : i32
    return
  }
}

</mosaic_0001>

<sc_bundles>
// kernel: kernel.3.cloned.1.call-start
scs
__scs_entry_jumppad:
0x0: {  	(pc) =	sbr.rel $0x88, $3  }
0x1: {  	(tag) =	ssettag $0x0;
	lr =	simm.s32 $0x1  }
0x2: {  	[smem:$0x3F9F] =	sst lr;
	_ =	strace $0xD0000000  }
0x3: {  	_ = 	snop  }
0x4: {  	_ = 	snop  }
0x5: {  	_ = 	snop  }
0x6: {  	_ = 	snop  }
0x7: {  	_ = 	snop  }
__scs_overlays_trampoline_lowered:
0x8: {  	[smem:$0x3FAE] =	sst s0  }
0x9: {  	[smem:$0x3FAF] =	sst s1  }
0xa: {  	[smem:$0x3FB0] =	sst s2  }
0xb: {  	[smem:$0x3FB1] =	sst s3  }
0xc: {  	[smem:$0x3FB2] =	sst s4  }
0xd: {  	[smem:$0x3FB3] =	sst s5  }
0xe: {  	[smem:$0x3FB4] =	sst s6  }
0xf: {  	[smem:$0x3FB5] =	sst s7  }
0x10: {  	[smem:$0x3FB6] =	sst s8  }
0x11: {  	[smem:$0x3FB7] =	sst s9;
	s0 =	simm.s32 @!p0 $0x0  }
0x12: {  	s1 =	sld [smem:$0x3F9D];
	s0 =	simm.s32 @p0 $0x1  }
0x13: {  	[smem:$0x3FB8] =	sst s0;
	s0 =	simm.s32 @!p1 $0x0  }
0x14: {  	s2 =	sld [smem:$0x3F9C];
	s0 =	simm.s32 @p1 $0x1  }
0x15: {  	[smem:$0x3FB9] =	sst s0;
	s0 =	simm.s32 @!p2 $0x0  }
0x16: {  	s3 =	sld [smem:$0x3FDB];
	s0 =	simm.s32 @p2 $0x1  }
0x17: {  	s4 =	simm.s32 $0x1BF5;
	[smem:$0x3FBB] =	sst s0  }
0x18: {  	s0 =	sld [smem:$0x3F9E];
	_ =	swait.ge [sflag:s4], $0x0  }
0x19: {  	s7 =	sld [smem:$0x3F9F]  }
0x1a: {  	s8 =	sadd.s32 $0xFFFFE003, lr  }
0x1b: {  	s9 =	sadd.s32 $0xFFFFFEF7, lr;
	s5 =	simm.s32 $0xFFFFFFFF;
	p2 =	slt.u32 s8, $0xFFFFF086  }
0x1c: {  	p1 =	slt.u32 s9, $0xF7A;
	s5 =	simm.s32 @!p2 $0x0  }
0x1d: {  	s5 =	simm.s32 @p1 $0x1;
	p0 =	seq.s32 s7, s2  }
0x1e: {  	s7 =	smul.u32 @!p0 $0xF7A, s2;
	p2 =	seq.s32 @!p0 s5, $0x0  }
0x1f: {  	s9 =	smul.u32 $0xF7A, s1;
	s8 =	simm.s32 @!p0 $0x1BF5;
	p2 =	por !p2, p0  }
0x20: {  	[sflag:s8] =	ssyncset.s32 @!p0 $0xFFFFF086;
	s6 =	sadd.s32 @!p0 s3, s7;
	s7 =	simm.s32 @!p0 $0x108  }
0x21: {  	s3 =	sadd.s32 s3, s9;
	s6 =	sadd.s32 @!p0 $0x88, s6;
	s7 =	simm.s32 @p2 $0x1082  }
0x22: {  	[simem:s7], [sflag:s8] =	dma.local @!p0 [hbm:s6], $0xF7A  }
0x23: {  	s9 =	sor.u32 $0xD0000000, s2;
	s6 =	simm.s32 $0x108;
	_ =	swait.ge @!p0 [sflag:s8], $0x0  }
0x24: {  	s3 =	sadd.s32 $0x88, s3;
	s6 =	simm.s32 @!p1 $0x1082;
	[sflag:s4] =	ssyncset.s32 $0xFFFFF086  }
0x25: {  	[simem:s6], [sflag:s4] =	dma.local [hbm:s3], $0xF7A  }
0x26: {  	[smem:$0x3F9F] =	sst s1;
	(tag) =	ssettag s2;
	_ =	strace s9  }
0x27: {  	s1 =	sld [smem:$0x3FAF]  }
0x28: {  	s2 =	sld [smem:$0x3FB0]  }
0x29: {  	s4 =	sld [smem:$0x3FB2]  }
0x2a: {  	p0 =	seq.s32 s5, $0x0;
	s5 =	sld [smem:$0x3FB3]  }
0x2b: {  	s6 =	sld [smem:$0x3FB4]  }
0x2c: {  	s7 =	sld [smem:$0x3FB5]  }
0x2d: {  	s3 =	simm.s32 $0x108;
	s8 =	sld [smem:$0x3FB6]  }
0x2e: {  	s3 =	simm.s32 @!p0 $0x1082;
	s9 =	sld [smem:$0x3FB7]  }
0x2f: {  	lr =	sadd.s32 s0, s3;
	s0 =	sld [smem:$0x3FAE]  }
0x30: {  	s3 =	sld [smem:$0x3FB1]  }
0x31: {  	[smem:$0x3FBA] =	sst s10  }
0x32: {  	s10 =	sld [smem:$0x3FB8];
	_ =	sdelay $0x3  }
0x33: {  	p0 =	seq.s32 s10, $0x1;
	s10 =	sld [smem:$0x3FBA];
	_ =	sdelay $0x3  }
0x34: {  	[smem:$0x3FBA] =	sst s10  }
0x35: {  	s10 =	sld [smem:$0x3FB9];
	_ =	sdelay $0x3  }
0x36: {  	p1 =	seq.s32 s10, $0x1;
	s10 =	sld [smem:$0x3FBA];
	_ =	sdelay $0x3  }
0x37: {  	[smem:$0x3FBA] =	sst s10  }
0x38: {  	s10 =	sld [smem:$0x3FBB]  }
0x39: {  	_ = 	snop;
	(pc) =	sbr.ind lr, $3  }
0x3a: {  	_ = 	snop  }
0x3b: {  	_ = 	snop  }
0x3c: {  	p2 =	seq.s32 s10, $0x1;
	s10 =	sld [smem:$0x3FBA]  }
0x3d: {  	_ =	shalt  }
0x3e: {  	_ =	shalt  }
0x3f: {  	_ =	shalt  }
0x40: {  	_ =	shalt  }
0x41: {  	_ =	shalt  }
0x42: {  	_ =	shalt  }
0x43: {  	_ =	shalt  }
0x44: {  	_ =	shalt  }
0x45: {  	_ =	shalt  }
0x46: {  	_ =	shalt  }
0x47: {  	_ =	shalt  }
0x48: {  	_ =	shalt  }
0x49: {  	_ =	shalt  }
0x4a: {  	_ =	shalt  }
0x4b: {  	_ =	shalt  }
0x4c: {  	_ =	shalt  }
0x4d: {  	_ =	shalt  }
0x4e: {  	_ =	shalt  }
0x4f: {  	_ =	shalt  }
0x50: {  	_ =	shalt  }
0x51: {  	_ =	shalt  }
0x52: {  	_ =	shalt  }
0x53: {  	_ =	shalt  }
0x54: {  	_ =	shalt  }
0x55: {  	_ =	shalt  }
0x56: {  	_ =	shalt  }
0x57: {  	_ =	shalt  }
0x58: {  	_ =	shalt  }
0x59: {  	_ =	shalt  }
0x5a: {  	_ =	shalt  }
0x5b: {  	_ =	shalt  }
0x5c: {  	_ =	shalt  }
0x5d: {  	_ =	shalt  }
0x5e: {  	_ =	shalt  }
0x5f: {  	_ =	shalt  }
0x60: {  	_ =	shalt  }
0x61: {  	_ =	shalt  }
0x62: {  	_ =	shalt  }
0x63: {  	_ =	shalt  }
0x64: {  	_ =	shalt  }
0x65: {  	_ =	shalt  }
0x66: {  	_ =	shalt  }
0x67: {  	_ =	shalt  }
0x68: {  	_ =	shalt  }
0x69: {  	_ =	shalt  }
0x6a: {  	_ =	shalt  }
0x6b: {  	_ =	shalt  }
0x6c: {  	_ =	shalt  }
0x6d: {  	_ =	shalt  }
0x6e: {  	_ =	shalt  }
0x6f: {  	_ =	shalt  }
0x70: {  	_ =	shalt  }
0x71: {  	_ =	shalt  }
0x72: {  	_ =	shalt  }
0x73: {  	_ =	shalt  }
0x74: {  	_ =	shalt  }
0x75: {  	_ =	shalt  }
0x76: {  	_ =	shalt  }
0x77: {  	_ =	shalt  }
0x78: {  	_ =	shalt  }
0x79: {  	_ =	shalt  }
0x7a: {  	_ =	shalt  }
0x7b: {  	_ =	shalt  }
0x7c: {  	_ =	shalt  }
0x7d: {  	_ =	shalt  }
0x7e: {  	_ =	shalt  }
0x7f: {  	_ =	shalt  }
0x80: {  	_ =	shalt  }
0x81: {  	_ =	shalt  }
0x82: {  	_ =	shalt  }
0x83: {  	_ =	shalt  }
0x84: {  	_ =	shalt  }
0x85: {  	_ =	shalt  }
0x86: {  	_ =	shalt  }
0x87: {  	_ =	shalt  }
.Lfunc_end0:
.L_simem_size_0:
called_computation_lowered:
.L_overlay_start_0:
0x88: {  	s2 =	sld [smem:$0x3FD9]  }
0x89: {  	s3 =	sld [smem:$0x3FFE];
	_ =	sdelay $0x1  }
0x8a: {  	s1 =	srdreg.scid  }
0x8b: {  	s0 =	sand.u32 $0x1, s1  }
0x8c: {  	s17 =	sshll.u32 s0, $0xA;
	s2 =	sadd.s32 s3, s2  }
0x8d: {  	s2 =	sadd.s32 s2, s17  }
0x8e: {  	[smem:$0x3FC6] =	sst s2  }
0x8f: {  	_ = 	snop  }
0x90: {  	s2 =	sld [smem:$0x3FD0];
	(tm) =	ssettm $0x1  }
0x91: {  	s18 =	sld [smem:$0x3FFB];
	_ =	sdelay $0x3  }
0x92: {  	_ =	strace s18  }
0x93: {  	s3 =	sld [smem:$0x3FFC];
	_ =	sdelay $0x3  }
0x94: {  	_ =	strace s3  }
0x95: {  	s3 =	sld [smem:$0x3FFD];
	_ =	sdelay $0x3  }
0x96: {  	_ =	strace s3  }
0x97: {  	_ =	strace $0x8FFFFFFF  }
0x98: {  	s19 =	sld [smem:$0x3FDB];
	_ =	sdelay $0x1  }
0x99: {  	s4 =	simm.s32 $_scs_section_size  }
0x9a: {  	s5 =	simm.s32 $_size__tile_overlayer_lowered;
	s6 =	simm.s32 $_tile_overlayer_lowered  }
0x9b: {  	s22 =	simm.s32 $0x1BFF;
	s21 =	sshll.u32 s6, $0x1;
	s3 =	sadd.s32 s4, s19  }
0x9c: {  	s7 =	simm.s32 $0x0;
	s20 =	sshll.u32 s5, $0x1;
	s5 =	sadd.s32 s21, s3  }
0x9d: {  	[timem:s7], [sflag:s22] =	dma.local [hbm:s5], s20  }
0x9e: {  	_ =	swait.ge [sflag:s22], s20  }
0x9f: {  	s4 =	ssub.s32 $0x0, s20;
	[sflag:s22] =	ssyncset.done $0x0  }
0xa0: {  	[sflag:s22] =	ssyncadd.s32 s4;
	_ =	sdelay $0x1  }
0xa1: {  	s23 =	simm.s32 $0x1B8B  }
0xa2: {  	_ =	swait.ge [sflag:s23], $0x1  }
0xa3: {  	[sflag:s23] =	ssyncset.done $0x0  }
0xa4: {  	s25 =	simm.s32 $0x1B8E;
	s24 =	sld [smem:$0x3FFE];
	[sflag:s23] =	ssyncadd.s32 $0xFFFFFFFF  }
0xa5: {  	s26 =	simm.s32 $execute0_lowered;
	[smem:$0x3FD2] =	sst s25  }
0xa6: {  	s5 =	sshll.u32 s26, $0x1;
	_ =	strace $0x80000046;
	[dreg:$0x1] =	wrdreg $0xFFFFFFFF  }
0xa7: {  	s28 =	simm.s32 $_size_execute0_lowered;
	s3 =	sadd.s32 s3, s5;
	[dreg:$0x0] =	wrdreg $0x0  }
0xa8: {  	s5 =	sshll.u32 s28, $0x1;
	[dreg:$0x2] =	wrdreg s3  }
0xa9: {  	[dreg:$0x3] =	wrdreg s5  }
0xaa: {  	[dreg:$0x4] =	wrdreg $0xC0  }
0xab: {  	_ =	task [dreg:s7], $0x5FFFF  }
0xac: {  	[dreg:$0x1] =	wrdreg $0xFFFFFFFF  }
0xad: {  	[dreg:$0x0] =	wrdreg $0x60  }
0xae: {  	[dreg:$0x2] =	wrdreg s24  }
0xaf: {  	[dreg:$0x3] =	wrdreg s2  }
0xb0: {  	[dreg:$0x4] =	wrdreg $0x9  }
0xb1: {  	_ =	task.clear_ibuf [dreg:s7], $0x5FFFF;
	_ =	strace $0x90000046  }
0xb2: {  	s29 =	simm.s32 $0x9;
	_ =	strace $0x80000048  }
0xb3: {  	_ =	swait.ge [sflag:s29], $0x1  }
0xb4: {  	[sflag:s29] =	ssyncadd.s32 $0xFFFFFFFF  }
0xb5: {  	_ =	strace $0x90000048  }
0xb6: {  	_ =	sfence  }
0xb7: {  	s30 =	sld [smem:$0x0];
	_ =	sdelay $0x2  }
0xb8: {  	s31 =	sshll.u32 s1, $0xD;
	s1 =	sshrl.u32 s1, $0x2  }
0xb9: {  	s3 =	sand.u32 $0x4000, s31;
	s1 =	sadd.s32 s1, s30  }
0xba: {  	s0 =	sor.u32 s3, s0;
	s1 =	sshll.u32 s1, $0x11  }
0xbb: {  	s0 =	sor.u32 s1, s0  }
0xbc: {  	s0 =	sadd.s32 $0x8F2B, s0  }
0xbd: {  	[sflag:s0] =	ssyncadd.remote.s32 $0x1  }
0xbe: {  	_ =	sfence.sel $0xFFFF  }
0xbf: {  	[dreg:$0x0] =	wrdreg $0xFFFFFFFF;
	(pc) =	sbr.abs _section_cstart, $3  }
0xc0: {  	[dreg:$0x1] =	wrdreg $0xFFFFFFFF  }
0xc1: {  	_ =	task.clear_ibuf [dreg:s7], $0x2FFFF;
	_ =	strace $0x9FFFFFFF  }
0xc2: {  	(tm) =	ssettm $0x7FFFFFFF  }
0xc3: {  	_ =	shalt  }
tec
execute0_lowered:
.L_overlay_start_1:
0x0: {  	(tag) =	ssettag $0x1  }
0x1: {  	s0 =	rddreg [dreg:$0x0];
	v0 =	vlaneseq.u32  }
0x2: {  	s1 =	simm.s32 $0x0;
	v2 =	vimm.s32 $0x0;
	v3 =	vimm.s32 $0x1;
	s12 =	simm.s32 $0x300;
	v8 =	vimm.s32 $0x60402;
	s13 =	simm.s32 $0x1500  }
0x3: {  	s28 =	srdreg.scid;
	s8 =	stileid.u32;
	s11 =	simm.s32 $0x2;
	v10 =	vimm.s32 $0x1070503;
	v12 =	vimm.s32 $0x2000604;
	v14 =	vimm.s32 $0x3010705  }
0x4: {  	s14 =	simm.s32 $0x80;
	s15 =	simm.s32 $0x2900;
	s16 =	simm.s32 $0xB900;
	v16 =	vimm.s32 $0x4020006;
	v18 =	vimm.s32 $0x5030107;
	v1 =	vand.u32 $0x3, v0  }
0x5: {  	s30 =	simm.s32 $0x500;
	s31 =	simm.s32 $0x3900;
	s10 =	simm.s32 $0x580;
	v5 =	vmul.u32 $0x12, v0;
	v0 =	vimm.s32 $0x200;
	v25 =	vunpack.c.0.s8.s32 v8  }
0x6: {  	s17 =	simm.s32 $0xCD00;
	s18 =	simm.s32 $0x1;
	s19 =	simm.s32 $0x14900;
	v10 =	vunpack.c.0.s8.s32 v10;
	v59 =	vunpack.c.0.s8.s32 v12;
	v14 =	vunpack.c.0.s8.s32 v14  }
0x7: {  	s21 =	simm.s32 $0x0;
	[smem:$0x7FF] =	sst s1;
	s3 =	sadd.s32 $0xDCC200, s0;
	v16 =	vunpack.c.0.s8.s32 v16;
	v12 =	vunpack.c.0.s8.s32 v18;
	v1 =	vmul.u32 $0x2, v1  }
0x8: {  	s4 =	sadd.s32 $0xDC4200, s0;
	s6 =	sadd.s32 $0xDBC200, s0;
	s1 =	sand.u32 $0x1, s28;
	v7 =	vor.u32 $0x1, v5;
	v9 =	vadd.s32 $0x2, v5;
	v11 =	vadd.s32 $0x3, v5  }
0x9: {  	s7 =	sadd.s32 $0x2BFA00, s0;
	_ =	strace $0x80000047;
	s2 =	ssub.s32 $0x2, s1;
	v13 =	vadd.s32 $0x4, v5;
	v15 =	vadd.s32 $0x5, v5;
	v23 =	vadd.s32 $0x7, v5;
	[tilespmem:$0x1FFC0] =	vst v5  }
0xa: {  	s9 =	sshll.u32 s8, $0xE;
	s1 =	sshll.u32 s1, $0xD;
	s5 =	sshrl.u32 s2, $0x1;
	v60 =	vadd.s32 $0x6, v5;
	v20 =	vadd.s32 $0x8, v5;
	v19 =	vadd.s32 $0xD, v5;
	[tilespmem:$0x1FFB0] =	vst v23  }
0xb: {  	s8 =	sadd.s32 $0xDD4200, s0;
	s9 =	sor.u32 s1, s9;
	v21 =	vadd.s32 $0x9, v5;
	v17 =	vadd.s32 $0xA, v5;
	v8 =	vadd.s32 $0xB, v5;
	s29 =	ssub.s32 s2, s5;
	[tilespmem:$0x1FFD0] =	vst v19  }
0xc: {  	v18 =	vadd.s32 $0xC, v5;
	v24 =	vadd.s32 $0xE, v5;
	s1 =	simm.s32 $0x3D00;
	v26 =	vadd.s32 $0xF, v5;
	s5 =	simm.s32 $0xC900;
	[tilespmem:$0x1FFE0] =	vst v8;
	s0 =	smax.u32 s29, $0x1  }
0xd: {  	v27 =	vadd.s32 $0x10, v5;
	v28 =	vadd.s32 $0x11, v5;
	v6 =	vor.u32 $0x1, v1;
	s2 =	simm.s32 $0x1780;
	[tilespmem:$0x1FFF0] =	vst v17;
	[dreg:$0x3] =	wrdreg s0;
	s0 =	simm.s32 $0x1700  }
.LBB2_1:
0xe: {  	[dreg:$0x4] =	wrdreg s21;
	s20 =	simm.s32 $0x0  }
.LBB2_2:
0xf: {  	s21 =	sshll.u32 s20, $0x8  }
0x10: {  	s21 =	sadd.s32 s9, s21  }
0x11: {  	s22 =	simm.s32 $0x0;
	s23 =	sshrl.u32 s21, $0x3  }
0x12: {  	v29 =	vmov s22;
	s24 =	sadd.s32 s3, s23  }
0x13: {  	v29 =	vmul.u32 $0x12, v29;
	[tilespmem:s22], [sflag:$0x2] =	stream.linear.gather [hbm4b:s24+s22], $0x100, $0x38;
	[tilespmem:$0x15B00] =	vst v63  }
0x14: {  	_ =	swait.ge [sflag:s11], $0x100  }
0x15: {  	v29 =	vbroadcast v29, $0x0;
	[sflag:s11] =	ssyncset.done $0x0  }
0x16: {  	s25 =	simm.s32 $0x100;
	s26 =	sadd.s32 s4, s23;
	[sflag:s11] =	ssyncadd.s32 $0xFFFFFF00  }
0x17: {  	v30 =	vadd.s32 v5, v29;
	v31 =	vadd.s32 v7, v29;
	[tilespmem:s25], [sflag:$0x2] =	stream.linear.gather [hbm4b:s26+s22], $0x100, $0x38;
	[tilespmem:$0x15B00] =	vst v63  }
0x18: {  	v32 =	vadd.s32 v9, v29;
	v30 =	vand.u32 $0xFFFFFFF8, v30;
	v31 =	vand.u32 $0xFFFFFFF8, v31;
	_ =	swait.ge [sflag:s11], $0x100  }
0x19: {  	v37 =	vor.u32 v1, v30;
	v36 =	vor.u32 v6, v31;
	v30 =	vand.u32 $0xFFFFFFF8, v32;
	[sflag:s11] =	ssyncset.done $0x0  }
0x1a: {  	s29 =	simm.s32 $0x200;
	s23 =	sadd.s32 s6, s23;
	v31 =	vadd.s32 v11, v29;
	v40 =	vor.u32 v25, v30;
	v30 =	vadd.s32 v13, v29;
	[sflag:s11] =	ssyncadd.s32 $0xFFFFFF00  }
0x1b: {  	v42 =	vand.u32 $0xFFFFFFF8, v31;
	v31 =	vadd.s32 v15, v29;
	v44 =	vand.u32 $0xFFFFFFF8, v30;
	[tilespmem:s29], [sflag:$0x2] =	stream.linear.gather [hbm4b:s23+s22], $0x100, $0x38;
	[tilespmem:$0x15B00] =	vst v63  }
0x1c: {  	v46 =	vand.u32 $0xFFFFFFF8, v31;
	v30 =	vadd.s32 v60, v29;
	v31 =	vadd.s32 v23, v29;
	_ =	swait.ge [sflag:s11], $0x100  }
0x1d: {  	v43 =	vand.u32 $0xFFFFFFF8, v30;
	v47 =	vand.u32 $0xFFFFFFF8, v31;
	v30 =	vadd.s32 v20, v29;
	[sflag:s11] =	ssyncset.done $0x0  }
0x1e: {  	v31 =	vadd.s32 v21, v29;
	v41 =	vand.u32 $0xFFFFFFF8, v30;
	v30 =	vadd.s32 v17, v29;
	[sflag:s11] =	ssyncadd.s32 $0xFFFFFF00  }
0x1f: {  	v38 =	vand.u32 $0xFFFFFFF8, v31;
	v31 =	vadd.s32 v8, v29;
	v39 =	vand.u32 $0xFFFFFFF8, v30;
	v54 =	vld [tilespmem:s22+$0x0]  }
0x20: {  	v35 =	vand.u32 $0xFFFFFFF8, v31;
	v30 =	vadd.s32 v18, v29;
	v31 =	vadd.s32 v19, v29;
	v34 =	vld [tilespmem:s25+$0x0]  }
0x21: {  	v48 =	vadd.s32 v27, v29;
	v33 =	vand.u32 $0xFFFFFFF8, v30;
	v45 =	vand.u32 $0xFFFFFFF8, v31;
	v49 =	vld [tilespmem:s29+$0x0]  }
0x22: {  	v30 =	vadd.s32 v24, v29;
	v31 =	vadd.s32 v26, v29;
	v29 =	vadd.s32 v28, v29  }
0x23: {  	v35 =	vor.u32 v10, v35;
	v50 =	vand.u32 $0xFFFFFFF8, v30;
	v30 =	vand.u32 $0xFFFFFFF8, v48  }
0x24: {  	v29 =	vand.u32 $0xFFFFFFF8, v29;
	v31 =	vand.u32 $0xFFFFFFF8, v31;
	v30 =	vor.u32 v1, v30  }
0x25: {  	v29 =	vor.u32 v6, v29;
	v55 =	vmul.f32 $5.990000000e+02, v54;
	v56 =	vmul.f32 $2.990000000e+02, v34  }
0x26: {  	v32 =	vor.u32 v16, v50;
	v31 =	vor.u32 v12, v31;
	v49 =	vmul.f32 $2.990000000e+02, v49  }
0x27: {  	v34 =	vor.u32 v59, v33;
	v48 =	vadd.f32 $5.000000000e-01, v55;
	v50 =	vadd.f32 $5.000000000e-01, v56  }
0x28: {  	v33 =	vor.u32 v14, v45;
	v45 =	vor.u32 v16, v43;
	v51 =	vadd.f32 $5.000000000e-01, v49  }
0x29: {  	v43 =	vor.u32 v12, v47;
	v48 =	vtrunc.f32 v48;
	v58 =	vtrunc.f32 v50  }
0x2a: {  	v47 =	vor.u32 v14, v46;
	v62 =	vtrunc.f32 v51;
	v57 =	vcvt.f32.s32 v48  }
0x2b: {  	v49 =	vor.u32 v59, v44;
	v61 =	vcvt.f32.s32 v58;
	v63 =	vcvt.f32.s32 v62  }
0x2c: {  	v51 =	vor.u32 v10, v42;
	vm0 =	vgt.s32 v57, $0x0;
	vm1 =	vlt.s32 v57, $0x200  }
0x2d: {  	vm14 =	vgt.s32 v61, $0x0;
	vm15 =	vgt.s32 v63, $0x0;
	v46 =	vnsel vm0, $0x0, v57  }
0x2e: {  	v55 =	vsel vm1, $0x1, v2;
	v50 =	vnsel vm14, $0x0, v61;
	v53 =	vnsel vm15, $0x0, v63  }
0x2f: {  	v54 =	vmin.u32 v46, $0x1FF;
	v52 =	vmin.u32 v50, $0x12B;
	v44 =	vmin.u32 v53, $0x12B  }
0x30: {  	v46 =	vmin.u32 v46, $0x257;
	v57 =	vshrl.u32 v54, $0x7;
	v58 =	vmax.u32 v52, $0x1  }
0x31: {  	v61 =	vmax.u32 v44, $0x1;
	v56 =	vmul.u32 $0x2BF200, v57;
	v42 =	vmul.u32 $0x12C, v58  }
0x32: {  	v57 =	vand.u32 $0x7, v46;
	v46 =	vmax.u32 v46, $0x200;
	v48 =	vsub.s32 v61, v3  }
0x33: {  	s22 =	simm.s32 $0x2700;
	v58 =	vshrl.u32 v54, $0x3;
	v46 =	vsub.s32 v46, v0;
	v54 =	vadd.s32 $0xFFFFFED4, v42  }
0x34: {  	s28 =	simm.s32 $0x210;
	s23 =	simm.s32 $0x2800;
	[tilespmem:s22+$0x0] =	vst v57;
	v62 =	vand.u32 $0xF, v58;
	v42 =	vshrl.u32 v46, $0x3;
	v63 =	vadd.s32 v48, v54  }
0x35: {  	s24 =	simm.s32 $0x10;
	s26 =	simm.s32 $0x110;
	s25 =	simm.s32 $0x10;
	[tilespmem:s23+$0x0] =	vst v55;
	v46 =	vor.u32 v62, v56;
	v56 =	vshll.u32 v63, $0x5;
	v55 =	vmul.u32 $0x16, v63  }
.LBB2_3:
0x36: {  	p0 =	sne.s32 s24, $0xF0;
	v53 =	vmin.u32 v53, $0x12A;
	v56 =	vadd.s32 v46, v56;
	v57 =	vadd.s32 v44, v54;
	s22 =	sadd.s32 $0x10, s22;
	s23 =	sadd.s32 $0x10, s23  }
0x37: {  	s29 =	smov.u32 s24;
	s24 =	sadd.s32 $0x10, s24;
	v53 =	vadd.s32 $0x1, v53;
	v55 =	vadd.s32 v42, v55;
	[tilespmem:v37+s12+$0x0] =	vst.idx.msk $0xffff, v56;
	v56 =	vor.u32 $0x10, v56  }
0x38: {  	v58 =	vshll.u32 v57, $0x5;
	v57 =	vmul.u32 $0x16, v57;
	[tilespmem:v36+s12+$0x0] =	vst.idx.msk $0xffff, v56;
	v56 =	vadd.s32 $0xB, v55  }
0x39: {  	v52 =	vmul.u32 $0x12C, v52;
	v54 =	vadd.s32 v53, v54;
	[tilespmem:v37+s13+$0x0] =	vst.idx.msk $0xffff, v55;
	v37 =	vadd.s32 v46, v58  }
0x3a: {  	[tilespmem:v36+s13+$0x0] =	vst.idx.msk $0xffff, v56;
	v36 =	vadd.s32 v42, v57;
	v55 =	vor.u32 $0x10, v37;
	v56 =	vshll.u32 v54, $0x5  }
0x3b: {  	v54 =	vmul.u32 $0x16, v54;
	[tilespmem:v40+s12+$0x0] =	vst.idx.msk $0xffff, v37;
	v37 =	vadd.s32 v46, v56;
	v56 =	vadd.s32 v52, v48  }
0x3c: {  	v57 =	vadd.s32 v44, v52;
	[tilespmem:v51+s12+$0x0] =	vst.idx.msk $0xffff, v55;
	v55 =	vshll.u32 v56, $0x5;
	v56 =	vmul.u32 $0x16, v56  }
0x3d: {  	[tilespmem:v40+s13+$0x0] =	vst.idx.msk $0xffff, v36;
	v36 =	vadd.s32 $0xB, v36;
	v40 =	vadd.s32 v42, v54;
	v54 =	vadd.s32 v46, v55  }
0x3e: {  	v52 =	vadd.s32 v52, v53;
	[tilespmem:v51+s13+$0x0] =	vst.idx.msk $0xffff, v36;
	v36 =	vadd.s32 v42, v56;
	v51 =	vmul.u32 $0x16, v57  }
0x3f: {  	v55 =	vshll.u32 v52, $0x5;
	v52 =	vmul.u32 $0x16, v52;
	[tilespmem:v49+s12+$0x0] =	vst.idx.msk $0xffff, v37;
	v37 =	vor.u32 $0x10, v37  }
0x40: {  	v50 =	vmin.u32 v50, $0x12A;
	v55 =	vadd.s32 v46, v55;
	[tilespmem:v47+s12+$0x0] =	vst.idx.msk $0xffff, v37;
	v51 =	vadd.s32 v42, v51  }
0x41: {  	v37 =	vmov s29;
	[tilespmem:v49+s13+$0x0] =	vst.idx.msk $0xffff, v40;
	v40 =	vadd.s32 $0xB, v40;
	v49 =	vadd.s32 v42, v52  }
0x42: {  	v50 =	vmul.u32 $0x12C, v50;
	v37 =	vmul.u32 $0x12, v37;
	[tilespmem:v47+s13+$0x0] =	vst.idx.msk $0xffff, v40;
	v40 =	vor.u32 v1, v41  }
0x43: {  	v38 =	vor.u32 v6, v38;
	v39 =	vor.u32 v25, v39;
	v41 =	vor.u32 $0x10, v54;
	[tilespmem:v45+s12+$0x0] =	vst.idx.msk $0xffff, v54  }
0x44: {  	v50 =	vadd.s32 $0x12C, v50;
	v47 =	vbroadcast v37, $0x0;
	v37 =	vshll.u32 v57, $0x5;
	[tilespmem:v43+s12+$0x0] =	vst.idx.msk $0xffff, v41  }
0x45: {  	v37 =	vadd.s32 v46, v37;
	v41 =	vadd.s32 v48, v50;
	[tilespmem:v45+s13+$0x0] =	vst.idx.msk $0xffff, v36;
	v36 =	vadd.s32 $0xB, v36  }
0x46: {  	v45 =	vadd.s32 v5, v47;
	v48 =	vadd.s32 v7, v47;
	[tilespmem:v43+s13+$0x0] =	vst.idx.msk $0xffff, v36;
	v36 =	vshll.u32 v41, $0x5  }
0x47: {  	v43 =	vand.u32 $0xFFFFFFF8, v45;
	v45 =	vor.u32 $0x10, v37;
	[tilespmem:v40+s12+$0x0] =	vst.idx.msk $0xffff, v37;
	v52 =	vadd.s32 v46, v36  }
0x48: {  	v41 =	vmul.u32 $0x16, v41;
	v37 =	vor.u32 v1, v43;
	v36 =	vand.u32 $0xFFFFFFF8, v48;
	[tilespmem:v38+s12+$0x0] =	vst.idx.msk $0xffff, v45  }
0x49: {  	v43 =	vadd.s32 v44, v50;
	v36 =	vor.u32 v6, v36;
	[tilespmem:v40+s13+$0x0] =	vst.idx.msk $0xffff, v51;
	v40 =	vadd.s32 $0xB, v51  }
0x4a: {  	[tilespmem:v38+s13+$0x0] =	vst.idx.msk $0xffff, v40;
	v38 =	vadd.s32 v42, v41;
	v40 =	vshll.u32 v43, $0x5;
	v41 =	vmul.u32 $0x16, v43  }
0x4b: {  	v43 =	vor.u32 $0x10, v55;
	[tilespmem:v39+s12+$0x0] =	vst.idx.msk $0xffff, v55;
	v44 =	vadd.s32 v46, v40;
	v40 =	vadd.s32 v53, v50  }
0x4c: {  	[tilespmem:v35+s12+$0x0] =	vst.idx.msk $0xffff, v43;
	v43 =	vadd.s32 v42, v41;
	v41 =	vshll.u32 v40, $0x5;
	v40 =	vmul.u32 $0x16, v40  }
0x4d: {  	v45 =	vadd.s32 v9, v47;
	[tilespmem:v39+s13+$0x0] =	vst.idx.msk $0xffff, v49;
	v39 =	vadd.s32 $0xB, v49;
	v46 =	vadd.s32 v46, v41  }
0x4e: {  	v41 =	vand.u32 $0xFFFFFFF8, v45;
	v45 =	vadd.s32 v11, v47;
	[tilespmem:v35+s13+$0x0] =	vst.idx.msk $0xffff, v39;
	v35 =	vadd.s32 v42, v40  }
0x4f: {  	v40 =	vor.u32 v25, v41;
	v42 =	vand.u32 $0xFFFFFFF8, v45;
	v39 =	vor.u32 $0x10, v52;
	[tilespmem:v34+s12+$0x0] =	vst.idx.msk $0xffff, v52  }
0x50: {  	v41 =	vadd.s32 v13, v47;
	v45 =	vadd.s32 v15, v47;
	[tilespmem:v33+s12+$0x0] =	vst.idx.msk $0xffff, v39  }
0x51: {  	v48 =	vand.u32 $0xFFFFFFF8, v41;
	v49 =	vand.u32 $0xFFFFFFF8, v45;
	[tilespmem:v34+s13+$0x0] =	vst.idx.msk $0xffff, v38;
	v34 =	vadd.s32 $0xB, v38  }
0x52: {  	v39 =	vadd.s32 v23, v47;
	v38 =	vadd.s32 v60, v47;
	[tilespmem:v33+s13+$0x0] =	vst.idx.msk $0xffff, v34  }
0x53: {  	v50 =	vand.u32 $0xFFFFFFF8, v39;
	v45 =	vand.u32 $0xFFFFFFF8, v38;
	v33 =	vor.u32 $0x10, v44;
	[tilespmem:v32+s12+$0x0] =	vst.idx.msk $0xffff, v44  }
0x54: {  	v34 =	vadd.s32 v20, v47;
	v38 =	vadd.s32 v21, v47;
	[tilespmem:v31+s12+$0x0] =	vst.idx.msk $0xffff, v33  }
0x55: {  	v41 =	vand.u32 $0xFFFFFFF8, v34;
	v38 =	vand.u32 $0xFFFFFFF8, v38;
	[tilespmem:v32+s13+$0x0] =	vst.idx.msk $0xffff, v43;
	v32 =	vadd.s32 $0xB, v43  }
0x56: {  	v34 =	vadd.s32 v8, v47;
	v33 =	vadd.s32 v17, v47;
	[tilespmem:v31+s13+$0x0] =	vst.idx.msk $0xffff, v32  }
0x57: {  	v39 =	vand.u32 $0xFFFFFFF8, v33;
	v43 =	vand.u32 $0xFFFFFFF8, v34;
	v31 =	vor.u32 $0x10, v46;
	[tilespmem:v30+s12+$0x0] =	vst.idx.msk $0xffff, v46  }
0x58: {  	v33 =	vadd.s32 v19, v47;
	v32 =	vadd.s32 v18, v47;
	[tilespmem:v29+s12+$0x0] =	vst.idx.msk $0xffff, v31  }
0x59: {  	v33 =	vand.u32 $0xFFFFFFF8, v33;
	v34 =	vand.u32 $0xFFFFFFF8, v32;
	[tilespmem:v30+s13+$0x0] =	vst.idx.msk $0xffff, v35;
	v30 =	vadd.s32 $0xB, v35  }
0x5a: {  	v32 =	vadd.s32 v26, v47;
	v31 =	vadd.s32 v24, v47;
	[tilespmem:v29+s13+$0x0] =	vst.idx.msk $0xffff, v30  }
0x5b: {  	v44 =	vand.u32 $0xFFFFFFF8, v32;
	v31 =	vand.u32 $0xFFFFFFF8, v31;
	v29 =	vadd.s32 v27, v47;
	v35 =	vld [tilespmem:s25+$0x0]  }
0x5c: {  	v30 =	vadd.s32 v28, v47;
	v29 =	vand.u32 $0xFFFFFFF8, v29;
	v46 =	vld [tilespmem:s26+$0x0]  }
0x5d: {  	v32 =	vand.u32 $0xFFFFFFF8, v30;
	v47 =	vld [tilespmem:s28+$0x0];
	_ =	sdelay $0x1  }
0x5e: {  	v30 =	vor.u32 v1, v29;
	v29 =	vor.u32 v6, v32  }
0x5f: {  	v32 =	vor.u32 v16, v31;
	v31 =	vor.u32 v12, v44;
	v35 =	vmul.f32 $5.990000000e+02, v35  }
0x60: {  	v33 =	vor.u32 v14, v33;
	v34 =	vor.u32 v59, v34;
	v44 =	vmul.f32 $2.990000000e+02, v46  }
0x61: {  	v46 =	vadd.f32 $5.000000000e-01, v35;
	v47 =	vmul.f32 $2.990000000e+02, v47;
	v35 =	vor.u32 v10, v43  }
0x62: {  	v45 =	vor.u32 v16, v45;
	v43 =	vor.u32 v12, v50;
	v44 =	vadd.f32 $5.000000000e-01, v44  }
0x63: {  	v46 =	vtrunc.f32 v46;
	v50 =	vadd.f32 $5.000000000e-01, v47;
	v47 =	vor.u32 v14, v49  }
0x64: {  	v49 =	vor.u32 v59, v48;
	v46 =	vcvt.f32.s32 v46;
	v44 =	vtrunc.f32 v44  }
0x65: {  	v51 =	vor.u32 v10, v42;
	v44 =	vcvt.f32.s32 v44;
	v48 =	vtrunc.f32 v50  }
0x66: {  	vm0 =	vgt.s32 v46, $0x0;
	v42 =	vcvt.f32.s32 v48;
	vm1 =	vlt.s32 v46, $0x200  }
0x67: {  	v46 =	vnsel vm0, $0x0, v46;
	vm0 =	vgt.s32 v44, $0x0;
	v55 =	vsel vm1, $0x1, v2  }
0x68: {  	v50 =	vnsel vm0, $0x0, v44;
	vm0 =	vgt.s32 v42, $0x0;
	v54 =	vmin.u32 v46, $0x1FF  }
0x69: {  	v52 =	vmin.u32 v50, $0x12B;
	v53 =	vnsel vm0, $0x0, v42;
	v42 =	vshrl.u32 v54, $0x7  }
0x6a: {  	v44 =	vmin.u32 v53, $0x12B;
	v56 =	vmul.u32 $0x2BF200, v42;
	v42 =	vmax.u32 v52, $0x1  }
.Ltmp0:
0x6b: {  	v46 =	vmin.u32 v46, $0x257;
	v42 =	vmul.u32 $0x12C, v42;
	v48 =	vmax.u32 v44, $0x1;
	(pc) =	sbr.rel @p0 .LBB2_3-.Ltmp0, $4  }
0x6c: {  	v57 =	vand.u32 $0x7, v46;
	v46 =	vmax.u32 v46, $0x200;
	v48 =	vsub.s32 v48, v3  }
0x6d: {  	v46 =	vsub.s32 v46, v0;
	[tilespmem:s22+$0x0] =	vst v57;
	v57 =	vshrl.u32 v54, $0x3;
	v54 =	vadd.s32 $0xFFFFFED4, v42  }
0x6e: {  	v42 =	vshrl.u32 v46, $0x3;
	[tilespmem:s23+$0x0] =	vst v55;
	v55 =	vand.u32 $0xF, v57;
	v57 =	vadd.s32 v48, v54  }
0x6f: {  	s25 =	sadd.s32 $0x10, s25;
	s26 =	sadd.s32 $0x10, s26;
	s28 =	sadd.s32 $0x10, s28;
	v46 =	vor.u32 v55, v56;
	v56 =	vshll.u32 v57, $0x5;
	v55 =	vmul.u32 $0x16, v57  }
0x70: {  	_ =	sdelay $0x2  }
0x71: {  	v56 =	vadd.s32 v46, v56  }
0x72: {  	[tilespmem:v37+s12+$0x0] =	vst.idx.msk $0xffff, v56;
	v56 =	vor.u32 $0x10, v56  }
0x73: {  	v57 =	vadd.s32 v44, v54;
	v55 =	vadd.s32 v42, v55;
	[tilespmem:v36+s12+$0x0] =	vst.idx.msk $0xffff, v56  }
0x74: {  	v58 =	vshll.u32 v57, $0x5;
	v62 =	vadd.s32 $0xB, v55;
	[tilespmem:v37+s13+$0x0] =	vst.idx.msk $0xffff, v55  }
0x75: {  	v63 =	vmin.u32 v53, $0x12A;
	v57 =	vmul.u32 $0x16, v57;
	v61 =	vadd.s32 v46, v58;
	[tilespmem:v36+s13+$0x0] =	vst.idx.msk $0xffff, v62  }
0x76: {  	v36 =	vadd.s32 $0x1, v63;
	v62 =	vor.u32 $0x10, v61;
	[tilespmem:v40+s12+$0x0] =	vst.idx.msk $0xffff, v61  }
0x77: {  	v53 =	vadd.s32 v42, v57;
	v63 =	vadd.s32 v36, v54;
	[tilespmem:v51+s12+$0x0] =	vst.idx.msk $0xffff, v62  }
0x78: {  	v58 =	vadd.s32 $0xB, v53;
	v57 =	vshll.u32 v63, $0x5;
	[tilespmem:v40+s13+$0x0] =	vst.idx.msk $0xffff, v53  }
0x79: {  	v52 =	vmul.u32 $0x12C, v52;
	v61 =	vmul.u32 $0x16, v63;
	v37 =	vadd.s32 v46, v57;
	[tilespmem:v51+s13+$0x0] =	vst.idx.msk $0xffff, v58  }
0x7a: {  	[tilespmem:v49+s12+$0x0] =	vst.idx.msk $0xffff, v37;
	v37 =	vor.u32 $0x10, v37  }
0x7b: {  	v62 =	vadd.s32 v52, v48;
	v63 =	vadd.s32 v42, v61;
	[tilespmem:v47+s12+$0x0] =	vst.idx.msk $0xffff, v37  }
0x7c: {  	v53 =	vshll.u32 v62, $0x5;
	v54 =	vadd.s32 $0xB, v63;
	[tilespmem:v49+s13+$0x0] =	vst.idx.msk $0xffff, v63  }
0x7d: {  	v41 =	vor.u32 v1, v41;
	v40 =	vmul.u32 $0x16, v62;
	v37 =	vadd.s32 v46, v53;
	[tilespmem:v47+s13+$0x0] =	vst.idx.msk $0xffff, v54  }
0x7e: {  	v38 =	vor.u32 v6, v38;
	[tilespmem:v45+s12+$0x0] =	vst.idx.msk $0xffff, v37;
	v37 =	vor.u32 $0x10, v37  }
0x7f: {  	v55 =	vadd.s32 v44, v52;
	v40 =	vadd.s32 v42, v40;
	[tilespmem:v43+s12+$0x0] =	vst.idx.msk $0xffff, v37  }
0x80: {  	v56 =	vshll.u32 v55, $0x5;
	[tilespmem:v45+s13+$0x0] =	vst.idx.msk $0xffff, v40;
	v40 =	vadd.s32 $0xB, v40  }
0x81: {  	v39 =	vor.u32 v25, v39;
	v57 =	vmul.u32 $0x16, v55;
	v37 =	vadd.s32 v46, v56;
	[tilespmem:v43+s13+$0x0] =	vst.idx.msk $0xffff, v40  }
0x82: {  	[tilespmem:v41+s12+$0x0] =	vst.idx.msk $0xffff, v37;
	v37 =	vor.u32 $0x10, v37  }
0x83: {  	v58 =	vadd.s32 v52, v36;
	v61 =	vmin.u32 v50, $0x12A;
	v45 =	vadd.s32 v42, v57;
	[tilespmem:v38+s12+$0x0] =	vst.idx.msk $0xffff, v37  }
0x84: {  	v62 =	vshll.u32 v58, $0x5;
	v43 =	vmul.u32 $0x12C, v61;
	v63 =	vadd.s32 $0xB, v45;
	[tilespmem:v41+s13+$0x0] =	vst.idx.msk $0xffff, v45  }
0x85: {  	v40 =	vmul.u32 $0x16, v58;
	v37 =	vadd.s32 v46, v62;
	[tilespmem:v38+s13+$0x0] =	vst.idx.msk $0xffff, v63  }
0x86: {  	v45 =	vadd.s32 $0x12C, v43;
	[tilespmem:v39+s12+$0x0] =	vst.idx.msk $0xffff, v37;
	v37 =	vor.u32 $0x10, v37  }
0x87: {  	v40 =	vadd.s32 v42, v40;
	v47 =	vadd.s32 v48, v45;
	[tilespmem:v35+s12+$0x0] =	vst.idx.msk $0xffff, v37  }
0x88: {  	v49 =	vadd.s32 $0xB, v40;
	v48 =	vshll.u32 v47, $0x5;
	[tilespmem:v39+s13+$0x0] =	vst.idx.msk $0xffff, v40  }
0x89: {  	v50 =	vmul.u32 $0x16, v47;
	v37 =	vadd.s32 v46, v48;
	[tilespmem:v35+s13+$0x0] =	vst.idx.msk $0xffff, v49  }
0x8a: {  	v51 =	vor.u32 $0x10, v37;
	[tilespmem:v34+s12+$0x0] =	vst.idx.msk $0xffff, v37  }
0x8b: {  	v52 =	vadd.s32 v44, v45;
	v53 =	vadd.s32 v42, v50;
	[tilespmem:v33+s12+$0x0] =	vst.idx.msk $0xffff, v51  }
0x8c: {  	v54 =	vshll.u32 v52, $0x5;
	v55 =	vadd.s32 $0xB, v53;
	[tilespmem:v34+s13+$0x0] =	vst.idx.msk $0xffff, v53  }
0x8d: {  	v35 =	vadd.s32 v46, v54;
	v37 =	vmul.u32 $0x16, v52;
	[tilespmem:v33+s13+$0x0] =	vst.idx.msk $0xffff, v55  }
0x8e: {  	v56 =	vor.u32 $0x10, v35;
	[tilespmem:v32+s12+$0x0] =	vst.idx.msk $0xffff, v35  }
0x8f: {  	v57 =	vadd.s32 v36, v45;
	v58 =	vadd.s32 v42, v37;
	[tilespmem:v31+s12+$0x0] =	vst.idx.msk $0xffff, v56  }
0x90: {  	v61 =	vshll.u32 v57, $0x5;
	v62 =	vadd.s32 $0xB, v58;
	[tilespmem:v32+s13+$0x0] =	vst.idx.msk $0xffff, v58  }
0x91: {  	v34 =	vmul.u32 $0x16, v57;
	v33 =	vadd.s32 v46, v61;
	[tilespmem:v31+s13+$0x0] =	vst.idx.msk $0xffff, v62  }
0x92: {  	v31 =	vor.u32 $0x10, v33;
	[tilespmem:v30+s12+$0x0] =	vst.idx.msk $0xffff, v33  }
0x93: {  	v63 =	vadd.s32 v42, v34;
	[tilespmem:v29+s12+$0x0] =	vst.idx.msk $0xffff, v31  }
0x94: {  	[tilespmem:v30+s13+$0x0] =	vst.idx.msk $0xffff, v63;
	v30 =	vadd.s32 $0xB, v63  }
0x95: {  	[tilespmem:v29+s13+$0x0] =	vst.idx.msk $0xffff, v30  }
0x96: {  	[tilespmem:s15], [sflag:$0x1] =	stream.indirect.gather [hbm4b:s7+s14], $0x8, s12, s14, $0xb8;
	[tilespmem:$0x15B00] =	vst v63  }
0x97: {  	_ = 	snop  }
0x98: {  	[tilespmem:s16], [sflag:$0x1] =	stream.indirect.gather [hbm4b:s8+s14], $0x8, s13, s14, $0xb8;
	[tilespmem:$0x15B00] =	vst v63  }
0x99: {  	s22 =	simm.s32 $0x380;
	s23 =	simm.s32 $0x2D00  }
0x9a: {  	[tilespmem:s23], [sflag:$0x1] =	stream.indirect.gather [hbm4b:s7+s14], $0x8, s22, s14, $0xb8;
	[tilespmem:$0x15B00] =	vst v63  }
0x9b: {  	s28 =	simm.s32 $0x1580;
	s29 =	simm.s32 $0xBD00  }
0x9c: {  	[tilespmem:s29], [sflag:$0x1] =	stream.indirect.gather [hbm4b:s8+s14], $0x8, s28, s14, $0xb8;
	[tilespmem:$0x15B00] =	vst v63  }
0x9d: {  	s24 =	simm.s32 $0x3100;
	s23 =	simm.s32 $0x400  }
0x9e: {  	[tilespmem:s24], [sflag:$0x1] =	stream.indirect.gather [hbm4b:s7+s14], $0x8, s23, s14, $0xb8;
	[tilespmem:$0x15B00] =	vst v63  }
0x9f: {  	s25 =	simm.s32 $0x1600;
	s26 =	simm.s32 $0xC100  }
0xa0: {  	[tilespmem:s26], [sflag:$0x1] =	stream.indirect.gather [hbm4b:s8+s14], $0x8, s25, s14, $0xb8;
	[tilespmem:$0x15B00] =	vst v63  }
0xa1: {  	s28 =	simm.s32 $0x480;
	s29 =	simm.s32 $0x3500  }
0xa2: {  	[tilespmem:s29], [sflag:$0x1] =	stream.indirect.gather [hbm4b:s7+s14], $0x8, s28, s14, $0xb8;
	[tilespmem:$0x15B00] =	vst v63  }
0xa3: {  	s23 =	simm.s32 $0x1680;
	s24 =	simm.s32 $0xC500  }
0xa4: {  	[tilespmem:s24], [sflag:$0x1] =	stream.indirect.gather [hbm4b:s8+s14], $0x8, s23, s14, $0xb8;
	[tilespmem:$0x15B00] =	vst v63  }
0xa5: {  	_ = 	snop  }
0xa6: {  	[tilespmem:s31], [sflag:$0x1] =	stream.indirect.gather [hbm4b:s7+s14], $0x8, s30, s14, $0xb8;
	[tilespmem:$0x15B00] =	vst v63  }
0xa7: {  	_ = 	snop  }
0xa8: {  	[tilespmem:s5], [sflag:$0x1] =	stream.indirect.gather [hbm4b:s8+s14], $0x8, s0, s14, $0xb8;
	[tilespmem:$0x15B00] =	vst v63  }
0xa9: {  	_ = 	snop  }
0xaa: {  	[tilespmem:s1], [sflag:$0x1] =	stream.indirect.gather [hbm4b:s7+s14], $0x8, s10, s14, $0xb8;
	[tilespmem:$0x15B00] =	vst v63  }
0xab: {  	_ = 	snop  }
0xac: {  	[tilespmem:s17], [sflag:$0x1] =	stream.indirect.gather [hbm4b:s8+s14], $0x8, s2, s14, $0xb8;
	[tilespmem:$0x15B00] =	vst v63  }
0xad: {  	s25 =	simm.s32 $0x4100;
	s26 =	simm.s32 $0x600  }
0xae: {  	[tilespmem:s25], [sflag:$0x1] =	stream.indirect.gather [hbm4b:s7+s14], $0x8, s26, s14, $0xb8;
	[tilespmem:$0x15B00] =	vst v63  }
0xaf: {  	s28 =	simm.s32 $0xD100;
	s29 =	simm.s32 $0x1800  }
0xb0: {  	[tilespmem:s28], [sflag:$0x1] =	stream.indirect.gather [hbm4b:s8+s14], $0x8, s29, s14, $0xb8;
	[tilespmem:$0x15B00] =	vst v63  }
0xb1: {  	_ =	swait.ge [sflag:s18], $0x400  }
0xb2: {  	[sflag:s18] =	ssyncset.done $0x0  }
0xb3: {  	[sflag:s18] =	ssyncadd.s32 $0xFFFFFC00  }
0xb4: {  	s22 =	simm.s32 $0xD500;
	s24 =	simm.s32 $0x80;
	_ =	swait.ge [sflag:s18], $0x400  }
0xb5: {  	s23 =	simm.s32 $0x4500;
	s25 =	simm.s32 $0x400;
	[sflag:s18] =	ssyncset.done $0x0  }
.LBB2_5:
0xb6: {  	s26 =	sadd.s32 $0x600, s24  }
0xb7: {  	[sflag:s18] =	ssyncadd.s32 $0xFFFFFC00;
	s28 =	smov.u32 s25;
	s29 =	sadd.s32 $0x200, s25  }
0xb8: {  	[tilespmem:s23], [sflag:$0x1] =	stream.indirect.gather [hbm4b:s7+s14], $0x8, s26, s14, $0xb8;
	[tilespmem:$0x15B00] =	vst v63  }
0xb9: {  	p0 =	sne.s32 s25, $0x3A00;
	s24 =	sadd.s32 $0x1800, s24  }
0xba: {  	[tilespmem:s22], [sflag:$0x1] =	stream.indirect.gather [hbm4b:s8+s14], $0x8, s24, s14, $0xb8;
	[tilespmem:$0x15B00] =	vst v63  }
.Ltmp1:
0xbb: {  	_ =	swait.ge [sflag:s18], $0x400;
	(pc) =	sbr.rel @p0 .LBB2_5-.Ltmp1, $4  }
0xbc: {  	[sflag:s18] =	ssyncset.done $0x0  }
0xbd: {  	[sflag:s18] =	ssyncadd.s32 $0xFFFFFC00  }
0xbe: {  	s23 =	sadd.s32 $0x400, s23;
	s22 =	sadd.s32 $0x400, s22;
	_ =	swait.ge [sflag:s18], $0x400  }
0xbf: {  	s25 =	smov.u32 s29;
	s24 =	sshra.s32 s28, $0x2;
	[sflag:s18] =	ssyncset.done $0x0  }
0xc0: {  	s25 =	sadd.s32 $0x600, s24;
	[sflag:s18] =	ssyncadd.s32 $0xFFFFFC00  }
0xc1: {  	[tilespmem:s23], [sflag:$0x1] =	stream.indirect.gather [hbm4b:s7+s14], $0x8, s25, s14, $0xb8;
	[tilespmem:$0x15B00] =	vst v63  }
0xc2: {  	s28 =	sadd.s32 $0x1800, s24  }
0xc3: {  	[tilespmem:s22], [sflag:$0x1] =	stream.indirect.gather [hbm4b:s8+s14], $0x8, s28, s14, $0xb8;
	[tilespmem:$0x15B00] =	vst v63  }
0xc4: {  	_ =	swait.ge [sflag:s18], $0x400  }
0xc5: {  	[sflag:s18] =	ssyncset.done $0x0  }
0xc6: {  	[sflag:s18] =	ssyncadd.s32 $0xFFFFFC00  }
0xc7: {  	_ =	swait.ge [sflag:s18], $0x400  }
0xc8: {  	[sflag:s18] =	ssyncset.done $0x0  }
0xc9: {  	[sflag:s18] =	ssyncadd.s32 $0xFFFFFC00  }
0xca: {  	_ =	swait.ge [sflag:s18], $0x400  }
0xcb: {  	[sflag:s18] =	ssyncset.done $0x0  }
0xcc: {  	[sflag:s18] =	ssyncadd.s32 $0xFFFFFC00  }
0xcd: {  	_ =	swait.ge [sflag:s18], $0x400  }
0xce: {  	[sflag:s18] =	ssyncset.done $0x0  }
0xcf: {  	[sflag:s18] =	ssyncadd.s32 $0xFFFFFC00  }
0xd0: {  	_ =	swait.ge [sflag:s18], $0x400  }
0xd1: {  	[sflag:s18] =	ssyncset.done $0x0  }
0xd2: {  	[sflag:s18] =	ssyncadd.s32 $0xFFFFFC00  }
0xd3: {  	_ =	swait.ge [sflag:s18], $0x400  }
0xd4: {  	[sflag:s18] =	ssyncset.done $0x0  }
0xd5: {  	[sflag:s18] =	ssyncadd.s32 $0xFFFFFC00  }
0xd6: {  	_ =	swait.ge [sflag:s18], $0x400  }
0xd7: {  	[sflag:s18] =	ssyncset.done $0x0  }
0xd8: {  	[sflag:s18] =	ssyncadd.s32 $0xFFFFFC00  }
0xd9: {  	_ =	swait.ge [sflag:s18], $0x400  }
0xda: {  	[sflag:s18] =	ssyncset.done $0x0  }
0xdb: {  	[sflag:s18] =	ssyncadd.s32 $0xFFFFFC00  }
0xdc: {  	_ =	swait.ge [sflag:s18], $0x400  }
0xdd: {  	[sflag:s18] =	ssyncset.done $0x0  }
0xde: {  	[sflag:s18] =	ssyncadd.s32 $0xFFFFFC00  }
0xdf: {  	_ =	swait.ge [sflag:s18], $0x400  }
0xe0: {  	[sflag:s18] =	ssyncset.done $0x0  }
0xe1: {  	[sflag:s18] =	ssyncadd.s32 $0xFFFFFC00  }
0xe2: {  	_ =	swait.ge [sflag:s18], $0x400  }
0xe3: {  	[sflag:s18] =	ssyncset.done $0x0  }
0xe4: {  	[sflag:s18] =	ssyncadd.s32 $0xFFFFFC00  }
0xe5: {  	_ =	swait.ge [sflag:s18], $0x400  }
0xe6: {  	[sflag:s18] =	ssyncset.done $0x0  }
0xe7: {  	[sflag:s18] =	ssyncadd.s32 $0xFFFFFC00  }
0xe8: {  	_ =	swait.ge [sflag:s18], $0x400  }
0xe9: {  	[sflag:s18] =	ssyncset.done $0x0  }
0xea: {  	[sflag:s18] =	ssyncadd.s32 $0xFFFFFC00  }
0xeb: {  	_ =	swait.ge [sflag:s18], $0x400  }
0xec: {  	s29 =	simm.s32 $0x0;
	[sflag:s18] =	ssyncset.done $0x0  }
0xed: {  	v29 =	vmov s29;
	s22 =	simm.s32 $0x2700;
	[sflag:s18] =	ssyncadd.s32 $0xFFFFFC00  }
0xee: {  	v29 =	vmul.u32 $0x12, v29;
	v30 =	vld [tilespmem:s22+$0x0];
	_ =	sdelay $0x1  }
0xef: {  	v32 =	vbroadcast v29, $0x0;
	_ =	sdelay $0x1  }
0xf0: {  	v31 =	vadd.s32 v5, v32  }
0xf1: {  	v33 =	vshll.u32 v31, $0x3;
	v34 =	vand.u32 $0xFFFFFFF8, v30  }
0xf2: {  	v29 =	vand.u32 $0x7, v30;
	v30 =	vadd.s32 v33, v34  }
0xf3: {  	v30 =	vor.u32 v29, v30;
	_ =	sdelay $0x2  }
0xf4: {  	s23 =	simm.s32 $0x2800  }
0xf5: {  	v43 =	vld [tilespmem:s23+$0x0]  }
0xf6: {  	v35 =	vadd.s32 v7, v32;
	v36 =	vld.idx.msk [tilespmem:v30+s15+$0x0], $0xffff  }
0xf7: {  	v31 =	vand.u32 $0xFFFFFFF8, v31;
	v37 =	vshll.u32 v35, $0x3;
	v30 =	vld.idx.msk [tilespmem:v30+s16+$0x0], $0xffff  }
0xf8: {  	v31 =	vor.u32 v1, v31;
	v37 =	vadd.s32 v37, v34  }
0xf9: {  	v37 =	vor.u32 v29, v37;
	_ =	sdelay $0x1  }
0xfa: {  	vm0 =	vgt.s32 v43, $0x0  }
0xfb: {  	v30 =	vsel vm0, v36, v30  }
0xfc: {  	[tilespmem:v31+s19+$0x0] =	vst.idx.msk $0xffff, v30  }
0xfd: {  	v30 =	vadd.s32 v9, v32;
	v31 =	vld.idx.msk [tilespmem:v37+s15+$0x0], $0xffff  }
0xfe: {  	v35 =	vand.u32 $0xFFFFFFF8, v35;
	v44 =	vshll.u32 v30, $0x3;
	v45 =	vld.idx.msk [tilespmem:v37+s16+$0x0], $0xffff  }
0xff: {  	v35 =	vor.u32 v6, v35;
	v33 =	vadd.s32 v44, v34  }
0x100: {  	v33 =	vor.u32 v29, v33;
	_ =	sdelay $0x2  }
0x101: {  	v31 =	vsel vm0, v31, v45  }
0x102: {  	[tilespmem:v35+s19+$0x0] =	vst.idx.msk $0xffff, v31  }
0x103: {  	v31 =	vadd.s32 v11, v32;
	v35 =	vld.idx.msk [tilespmem:v33+s15+$0x0], $0xffff  }
0x104: {  	v30 =	vand.u32 $0xFFFFFFF8, v30;
	v46 =	vshll.u32 v31, $0x3;
	v33 =	vld.idx.msk [tilespmem:v33+s16+$0x0], $0xffff  }
0x105: {  	v30 =	vor.u32 v25, v30;
	v36 =	vadd.s32 v46, v34  }
0x106: {  	v36 =	vor.u32 v29, v36;
	_ =	sdelay $0x2  }
0x107: {  	v33 =	vsel vm0, v35, v33  }
0x108: {  	[tilespmem:v30+s19+$0x0] =	vst.idx.msk $0xffff, v33  }
0x109: {  	v30 =	vadd.s32 v13, v32;
	v33 =	vld.idx.msk [tilespmem:v36+s15+$0x0], $0xffff  }
0x10a: {  	v31 =	vand.u32 $0xFFFFFFF8, v31;
	v47 =	vshll.u32 v30, $0x3;
	v36 =	vld.idx.msk [tilespmem:v36+s16+$0x0], $0xffff  }
0x10b: {  	v31 =	vor.u32 v10, v31;
	v35 =	vadd.s32 v47, v34  }
0x10c: {  	v35 =	vor.u32 v29, v35;
	_ =	sdelay $0x2  }
0x10d: {  	v33 =	vsel vm0, v33, v36  }
0x10e: {  	[tilespmem:v31+s19+$0x0] =	vst.idx.msk $0xffff, v33  }
0x10f: {  	v31 =	vadd.s32 v15, v32;
	v33 =	vld.idx.msk [tilespmem:v35+s15+$0x0], $0xffff  }
0x110: {  	v30 =	vand.u32 $0xFFFFFFF8, v30;
	v48 =	vshll.u32 v31, $0x3;
	v35 =	vld.idx.msk [tilespmem:v35+s16+$0x0], $0xffff  }
0x111: {  	v30 =	vor.u32 v59, v30;
	v36 =	vadd.s32 v48, v34  }
0x112: {  	v36 =	vor.u32 v29, v36;
	_ =	sdelay $0x2  }
0x113: {  	v33 =	vsel vm0, v33, v35  }
0x114: {  	[tilespmem:v30+s19+$0x0] =	vst.idx.msk $0xffff, v33  }
0x115: {  	v30 =	vadd.s32 v60, v32;
	v33 =	vld.idx.msk [tilespmem:v36+s15+$0x0], $0xffff  }
0x116: {  	v31 =	vand.u32 $0xFFFFFFF8, v31;
	v49 =	vshll.u32 v30, $0x3;
	v36 =	vld.idx.msk [tilespmem:v36+s16+$0x0], $0xffff  }
0x117: {  	v31 =	vor.u32 v14, v31;
	v35 =	vadd.s32 v49, v34  }
0x118: {  	v35 =	vor.u32 v29, v35;
	_ =	sdelay $0x2  }
0x119: {  	v33 =	vsel vm0, v33, v36  }
0x11a: {  	[tilespmem:v31+s19+$0x0] =	vst.idx.msk $0xffff, v33  }
0x11b: {  	v31 =	vadd.s32 v23, v32;
	v33 =	vld.idx.msk [tilespmem:v35+s15+$0x0], $0xffff  }
0x11c: {  	v30 =	vand.u32 $0xFFFFFFF8, v30;
	v50 =	vshll.u32 v31, $0x3;
	v35 =	vld.idx.msk [tilespmem:v35+s16+$0x0], $0xffff  }
0x11d: {  	v30 =	vor.u32 v16, v30;
	v36 =	vadd.s32 v50, v34  }
0x11e: {  	v36 =	vor.u32 v29, v36;
	_ =	sdelay $0x2  }
0x11f: {  	v33 =	vsel vm0, v33, v35  }
0x120: {  	[tilespmem:v30+s19+$0x0] =	vst.idx.msk $0xffff, v33  }
0x121: {  	v30 =	vadd.s32 v20, v32;
	v33 =	vld.idx.msk [tilespmem:v36+s15+$0x0], $0xffff  }
0x122: {  	v31 =	vand.u32 $0xFFFFFFF8, v31;
	v51 =	vshll.u32 v30, $0x3;
	v36 =	vld.idx.msk [tilespmem:v36+s16+$0x0], $0xffff  }
0x123: {  	v31 =	vor.u32 v12, v31;
	v35 =	vadd.s32 v51, v34  }
0x124: {  	v35 =	vor.u32 v29, v35;
	_ =	sdelay $0x2  }
0x125: {  	v33 =	vsel vm0, v33, v36  }
0x126: {  	[tilespmem:v31+s19+$0x0] =	vst.idx.msk $0xffff, v33  }
0x127: {  	v31 =	vadd.s32 v21, v32;
	v33 =	vld.idx.msk [tilespmem:v35+s15+$0x0], $0xffff  }
0x128: {  	v30 =	vand.u32 $0xFFFFFFF8, v30;
	v52 =	vshll.u32 v31, $0x3;
	v35 =	vld.idx.msk [tilespmem:v35+s16+$0x0], $0xffff  }
0x129: {  	v30 =	vor.u32 v1, v30;
	v36 =	vadd.s32 v52, v34  }
0x12a: {  	v36 =	vor.u32 v29, v36;
	_ =	sdelay $0x2  }
0x12b: {  	v33 =	vsel vm0, v33, v35  }
0x12c: {  	[tilespmem:v30+s19+$0x0] =	vst.idx.msk $0xffff, v33  }
0x12d: {  	v30 =	vadd.s32 v17, v32;
	v33 =	vld.idx.msk [tilespmem:v36+s15+$0x0], $0xffff  }
0x12e: {  	v31 =	vand.u32 $0xFFFFFFF8, v31;
	v53 =	vshll.u32 v30, $0x3;
	v36 =	vld.idx.msk [tilespmem:v36+s16+$0x0], $0xffff  }
0x12f: {  	v31 =	vor.u32 v6, v31;
	v35 =	vadd.s32 v53, v34  }
0x130: {  	v35 =	vor.u32 v29, v35;
	_ =	sdelay $0x2  }
0x131: {  	v33 =	vsel vm0, v33, v36  }
0x132: {  	[tilespmem:v31+s19+$0x0] =	vst.idx.msk $0xffff, v33  }
0x133: {  	v31 =	vadd.s32 v8, v32;
	v33 =	vld.idx.msk [tilespmem:v35+s15+$0x0], $0xffff  }
0x134: {  	v30 =	vand.u32 $0xFFFFFFF8, v30;
	v54 =	vshll.u32 v31, $0x3;
	v35 =	vld.idx.msk [tilespmem:v35+s16+$0x0], $0xffff  }
0x135: {  	v30 =	vor.u32 v25, v30;
	v36 =	vadd.s32 v54, v34  }
0x136: {  	v36 =	vor.u32 v29, v36;
	_ =	sdelay $0x2  }
0x137: {  	v33 =	vsel vm0, v33, v35  }
0x138: {  	v55 =	vadd.s32 v28, v32;
	v57 =	vadd.s32 v24, v32;
	[tilespmem:v30+s19+$0x0] =	vst.idx.msk $0xffff, v33  }
0x139: {  	v40 =	vadd.s32 v18, v32;
	v41 =	vadd.s32 v19, v32;
	v58 =	vadd.s32 v26, v32;
	v56 =	vld.idx.msk [tilespmem:v36+s15+$0x0], $0xffff  }
0x13a: {  	v39 =	vshll.u32 v40, $0x3;
	v42 =	vshll.u32 v41, $0x3;
	v31 =	vand.u32 $0xFFFFFFF8, v31;
	v36 =	vld.idx.msk [tilespmem:v36+s16+$0x0], $0xffff  }
0x13b: {  	v0 =	vand.u32 $0xFFFFFFF8, v55;
	v39 =	vadd.s32 v39, v34;
	v43 =	vor.u32 v10, v31  }
0x13c: {  	v61 =	vshll.u32 v58, $0x3;
	v63 =	vand.u32 $0xFFFFFFF8, v41;
	v45 =	vor.u32 v29, v39  }
0x13d: {  	v62 =	vand.u32 $0xFFFFFFF8, v40;
	v40 =	vor.u32 v14, v63;
	v44 =	vshll.u32 v57, $0x3  }
0x13e: {  	v37 =	vadd.s32 v61, v34;
	v39 =	vadd.s32 v44, v34;
	v46 =	vand.u32 $0xFFFFFFF8, v57  }
0x13f: {  	v47 =	vshll.u32 v55, $0x3;
	v30 =	vadd.s32 v27, v32;
	v35 =	vsel vm0, v56, v36  }
0x140: {  	v48 =	vadd.s32 v42, v34;
	v32 =	vand.u32 $0xFFFFFFF8, v58;
	v38 =	vshll.u32 v30, $0x3;
	[tilespmem:v43+s19+$0x0] =	vst.idx.msk $0xffff, v35  }
0x141: {  	[tilespmem:$0x1FFA0] =	vst v0;
	v22 =	vand.u32 $0xFFFFFFF8, v30;
	v33 =	vadd.s32 v38, v34;
	v38 =	vor.u32 v29, v48;
	v42 =	vld.idx.msk [tilespmem:v45+s15+$0x0], $0xffff  }
0x142: {  	s24 =	simm.s32 $0x10;
	v36 =	vor.u32 v59, v62;
	v35 =	vadd.s32 v47, v34;
	v34 =	vor.u32 v16, v46;
	v43 =	vld.idx.msk [tilespmem:v45+s16+$0x0], $0xffff  }
.LBB2_7:
0x143: {  	_ =	sdelay $0x3  }
0x144: {  	v41 =	vsel vm0, v42, v43  }
0x145: {  	[tilespmem:v36+s19+$0x0] =	vst.idx.msk $0xffff, v41  }
0x146: {  	v36 =	vld.idx.msk [tilespmem:v38+s15+$0x0], $0xffff  }
0x147: {  	v58 =	vld.idx.msk [tilespmem:v38+s16+$0x0], $0xffff;
	_ =	sdelay $0x1  }
0x148: {  	v39 =	vor.u32 v29, v39;
	_ =	sdelay $0x2  }
0x149: {  	v36 =	vsel vm0, v36, v58  }
0x14a: {  	[tilespmem:v40+s19+$0x0] =	vst.idx.msk $0xffff, v36  }
0x14b: {  	v36 =	vld.idx.msk [tilespmem:v39+s15+$0x0], $0xffff  }
0x14c: {  	v61 =	vld.idx.msk [tilespmem:v39+s16+$0x0], $0xffff;
	_ =	sdelay $0x1  }
0x14d: {  	v37 =	vor.u32 v29, v37;
	_ =	sdelay $0x2  }
0x14e: {  	v36 =	vsel vm0, v36, v61  }
0x14f: {  	[tilespmem:v34+s19+$0x0] =	vst.idx.msk $0xffff, v36  }
0x150: {  	v63 =	vld.idx.msk [tilespmem:v37+s15+$0x0], $0xffff  }
0x151: {  	v37 =	vld.idx.msk [tilespmem:v37+s16+$0x0], $0xffff  }
0x152: {  	v32 =	vor.u32 v12, v32  }
0x153: {  	v35 =	vor.u32 v29, v35;
	v29 =	vor.u32 v29, v33;
	_ =	sdelay $0x2  }
0x154: {  	v37 =	vsel vm0, v63, v37  }
0x155: {  	s25 =	smov.u32 s24;
	[tilespmem:v32+s19+$0x0] =	vst.idx.msk $0xffff, v37  }
0x156: {  	v62 =	vmov s25;
	v32 =	vld.idx.msk [tilespmem:v29+s15+$0x0], $0xffff  }
0x157: {  	v39 =	vmul.u32 $0x12, v62;
	v29 =	vld.idx.msk [tilespmem:v29+s16+$0x0], $0xffff  }
0x158: {  	v41 =	vor.u32 v1, v22  }
0x159: {  	v39 =	vbroadcast v39, $0x0;
	_ =	sdelay $0x1  }
0x15a: {  	v63 =	vadd.s32 v8, v39;
	v8 =	vld [tilespmem:$0x1FFA0]  }
0x15b: {  	v29 =	vsel vm0, v32, v29  }
0x15c: {  	[tilespmem:v41+s19+$0x0] =	vst.idx.msk $0xffff, v29  }
0x15d: {  	v41 =	vld.idx.msk [tilespmem:v35+s15+$0x0], $0xffff  }
0x15e: {  	v35 =	vld.idx.msk [tilespmem:v35+s16+$0x0], $0xffff  }
0x15f: {  	v29 =	vor.u32 v6, v8  }
0x160: {  	v31 =	vadd.s32 v5, v39  }
0x161: {  	v42 =	vadd.s32 v7, v39;
	v40 =	vadd.s32 v17, v39;
	v44 =	vadd.s32 v28, v39  }
0x162: {  	v45 =	vadd.s32 v24, v39;
	v46 =	vadd.s32 v27, v39;
	v53 =	vadd.s32 v11, v39  }
0x163: {  	v47 =	vadd.s32 v13, v39;
	v54 =	vadd.s32 v15, v39;
	v35 =	vsel vm0, v41, v35  }
0x164: {  	s22 =	sadd.s32 $0x10, s22;
	v17 =	vmov v60;
	v60 =	vadd.s32 v60, v39;
	v50 =	vadd.s32 v23, v39;
	[tilespmem:v29+s19+$0x0] =	vst.idx.msk $0xffff, v35  }
0x165: {  	v38 =	vadd.s32 v21, v39;
	v43 =	vshll.u32 v31, $0x3;
	v31 =	vand.u32 $0xFFFFFFF8, v31;
	v29 =	vld [tilespmem:s22+$0x0]  }
0x166: {  	v33 =	vshll.u32 v42, $0x3;
	v52 =	vshll.u32 v46, $0x3;
	v22 =	vand.u32 $0xFFFFFFF8, v46  }
0x167: {  	v0 =	vand.u32 $0xFFFFFFF8, v44;
	v5 =	vshll.u32 v38, $0x3;
	v46 =	vand.u32 $0xFFFFFFF8, v38  }
0x168: {  	v36 =	vadd.s32 v9, v39;
	v34 =	vadd.s32 v19, v39;
	v61 =	vor.u32 v1, v31;
	v8 =	vmovc v0  }
0x169: {  	v31 =	vadd.s32 v20, v39;
	v48 =	vshll.u32 v36, $0x3;
	[tilespmem:$0x1FFA0] =	vst v8;
	v8 =	vand.u32 $0xFFFFFFF8, v45  }
0x16a: {  	v51 =	vand.u32 $0xFFFFFFF8, v36;
	v36 =	vadd.s32 v18, v39;
	v38 =	vmovc v11;
	v11 =	vand.u32 $0xFFFFFFF8, v29  }
0x16b: {  	v39 =	vadd.s32 v26, v39;
	v29 =	vand.u32 $0x7, v29;
	v43 =	vadd.s32 v43, v11  }
0x16c: {  	v55 =	vshll.u32 v47, $0x3;
	[tilespmem:$0x1FF90] =	vst v8;
	v8 =	vmovc v26;
	v26 =	vmovc v24;
	v24 =	vmov v15;
	v15 =	vor.u32 v29, v43  }
0x16d: {  	v56 =	vand.u32 $0xFFFFFFF8, v47;
	v30 =	vshll.u32 v45, $0x3;
	v47 =	vand.u32 $0xFFFFFFF8, v53  }
0x16e: {  	v23 =	vmovc v13;
	v4 =	vshll.u32 v40, $0x3;
	v19 =	vmovc v27;
	v3 =	vshll.u32 v31, $0x3;
	v0 =	vand.u32 $0xFFFFFFF8, v42  }
0x16f: {  	s23 =	sadd.s32 $0x10, s23;
	v27 =	vmovc v20;
	v20 =	vmovc v7;
	v7 =	vor.u32 v25, v51;
	v0 =	vor.u32 v6, v0;
	v45 =	vshll.u32 v53, $0x3  }
0x170: {  	v41 =	vmovc v6;
	v6 =	vmovc v1;
	v1 =	vmov v12;
	v12 =	vmov v10;
	v51 =	vadd.s32 v3, v11;
	v3 =	vld [tilespmem:s23+$0x0]  }
0x171: {  	v10 =	vmovc v25;
	v25 =	vmov v17;
	v17 =	vadd.s32 v45, v11;
	v45 =	vadd.s32 v4, v11;
	v4 =	vld.idx.msk [tilespmem:v15+s15+$0x0], $0xffff  }
0x172: {  	v49 =	vand.u32 $0xFFFFFFF8, v31;
	v31 =	vmovc v28;
	v13 =	vadd.s32 v48, v11;
	v48 =	vadd.s32 v5, v11;
	v5 =	vld.idx.msk [tilespmem:v15+s16+$0x0], $0xffff  }
0x173: {  	v28 =	vmovc v21;
	v21 =	vmovc v9;
	v9 =	vshll.u32 v44, $0x3;
	v35 =	vshll.u32 v63, $0x3;
	v53 =	vadd.s32 v33, v11  }
0x174: {  	v44 =	vadd.s32 v35, v11;
	v35 =	vadd.s32 v9, v11;
	v9 =	vor.u32 v29, v53;
	_ =	sdelay $0x1  }
0x175: {  	vm0 =	vgt.s32 v3, $0x0  }
0x176: {  	v3 =	vsel vm0, v4, v5  }
0x177: {  	[tilespmem:v61+s19+$0x0] =	vst.idx.msk $0xffff, v3  }
0x178: {  	v3 =	vld.idx.msk [tilespmem:v9+s15+$0x0], $0xffff  }
0x179: {  	v4 =	vld.idx.msk [tilespmem:v9+s16+$0x0], $0xffff;
	_ =	sdelay $0x1  }
0x17a: {  	v9 =	vor.u32 v29, v13;
	_ =	sdelay $0x2  }
0x17b: {  	v3 =	vsel vm0, v3, v4  }
0x17c: {  	[tilespmem:v0+s19+$0x0] =	vst.idx.msk $0xffff, v3  }
0x17d: {  	v0 =	vld.idx.msk [tilespmem:v9+s15+$0x0], $0xffff  }
0x17e: {  	v3 =	vld.idx.msk [tilespmem:v9+s16+$0x0], $0xffff;
	_ =	sdelay $0x1  }
0x17f: {  	v9 =	vor.u32 v29, v17;
	_ =	sdelay $0x2  }
0x180: {  	v0 =	vsel vm0, v0, v3  }
0x181: {  	[tilespmem:v7+s19+$0x0] =	vst.idx.msk $0xffff, v0  }
0x182: {  	v0 =	vld.idx.msk [tilespmem:v9+s15+$0x0], $0xffff  }
0x183: {  	v62 =	vshll.u32 v60, $0x3;
	v4 =	vand.u32 $0xFFFFFFF8, v60;
	v60 =	vmovc v25;
	v25 =	vmovc v10;
	v10 =	vmov v12;
	v3 =	vld.idx.msk [tilespmem:v9+s16+$0x0], $0xffff  }
0x184: {  	v55 =	vadd.s32 v55, v11;
	v9 =	vor.u32 v10, v47  }
0x185: {  	v13 =	vor.u32 v29, v55;
	_ =	sdelay $0x1  }
0x186: {  	v57 =	vshll.u32 v54, $0x3;
	v2 =	vshll.u32 v50, $0x3  }
0x187: {  	v58 =	vshll.u32 v34, $0x3;
	v37 =	vshll.u32 v36, $0x3;
	v0 =	vsel vm0, v0, v3  }
0x188: {  	v32 =	vand.u32 $0xFFFFFFF8, v39;
	v42 =	vand.u32 $0xFFFFFFF8, v63;
	v63 =	vshll.u32 v39, $0x3;
	[tilespmem:v9+s19+$0x0] =	vst.idx.msk $0xffff, v0  }
0x189: {  	v57 =	vadd.s32 v57, v11;
	v62 =	vadd.s32 v62, v11;
	v2 =	vadd.s32 v2, v11;
	v0 =	vld.idx.msk [tilespmem:v13+s15+$0x0], $0xffff  }
0x18a: {  	v58 =	vadd.s32 v58, v11;
	v39 =	vadd.s32 v30, v11;
	v33 =	vadd.s32 v52, v11;
	v9 =	vld.idx.msk [tilespmem:v13+s16+$0x0], $0xffff  }
0x18b: {  	v43 =	vadd.s32 v37, v11;
	v37 =	vadd.s32 v63, v11;
	v11 =	vor.u32 v59, v56  }
0x18c: {  	v13 =	vor.u32 v29, v57;
	_ =	sdelay $0x2  }
0x18d: {  	v0 =	vsel vm0, v0, v9  }
0x18e: {  	[tilespmem:v11+s19+$0x0] =	vst.idx.msk $0xffff, v0  }
0x18f: {  	v9 =	vld.idx.msk [tilespmem:v13+s15+$0x0], $0xffff  }
0x190: {  	v5 =	vand.u32 $0xFFFFFFF8, v54;
	v11 =	vld.idx.msk [tilespmem:v13+s16+$0x0], $0xffff  }
0x191: {  	v5 =	vor.u32 v14, v5  }
0x192: {  	v13 =	vor.u32 v29, v62;
	_ =	sdelay $0x2  }
0x193: {  	v9 =	vsel vm0, v9, v11  }
0x194: {  	[tilespmem:v5+s19+$0x0] =	vst.idx.msk $0xffff, v9  }
0x195: {  	v5 =	vld.idx.msk [tilespmem:v13+s15+$0x0], $0xffff  }
0x196: {  	v9 =	vld.idx.msk [tilespmem:v13+s16+$0x0], $0xffff  }
0x197: {  	v4 =	vor.u32 v16, v4  }
0x198: {  	v2 =	vor.u32 v29, v2;
	_ =	sdelay $0x2  }
0x199: {  	v5 =	vsel vm0, v5, v9  }
0x19a: {  	[tilespmem:v4+s19+$0x0] =	vst.idx.msk $0xffff, v5  }
0x19b: {  	v4 =	vld.idx.msk [tilespmem:v2+s15+$0x0], $0xffff  }
0x19c: {  	v50 =	vand.u32 $0xFFFFFFF8, v50;
	v12 =	vmov v1;
	v2 =	vld.idx.msk [tilespmem:v2+s16+$0x0], $0xffff  }
0x19d: {  	v7 =	vor.u32 v12, v50  }
0x19e: {  	v5 =	vor.u32 v29, v51;
	_ =	sdelay $0x2  }
0x19f: {  	v2 =	vsel vm0, v4, v2  }
0x1a0: {  	[tilespmem:v7+s19+$0x0] =	vst.idx.msk $0xffff, v2  }
0x1a1: {  	v2 =	vld.idx.msk [tilespmem:v5+s15+$0x0], $0xffff  }
0x1a2: {  	v1 =	vmov v6;
	v4 =	vld.idx.msk [tilespmem:v5+s16+$0x0], $0xffff  }
0x1a3: {  	v3 =	vor.u32 v1, v49  }
0x1a4: {  	v5 =	vor.u32 v29, v48;
	_ =	sdelay $0x2  }
0x1a5: {  	v2 =	vsel vm0, v2, v4  }
0x1a6: {  	[tilespmem:v3+s19+$0x0] =	vst.idx.msk $0xffff, v2  }
0x1a7: {  	v2 =	vld.idx.msk [tilespmem:v5+s15+$0x0], $0xffff  }
0x1a8: {  	v3 =	vld.idx.msk [tilespmem:v5+s16+$0x0], $0xffff  }
0x1a9: {  	v0 =	vor.u32 v41, v46  }
0x1aa: {  	v5 =	vor.u32 v29, v45;
	_ =	sdelay $0x2  }
0x1ab: {  	v2 =	vsel vm0, v2, v3  }
0x1ac: {  	[tilespmem:v0+s19+$0x0] =	vst.idx.msk $0xffff, v2  }
0x1ad: {  	v0 =	vld.idx.msk [tilespmem:v5+s15+$0x0], $0xffff  }
0x1ae: {  	v17 =	vand.u32 $0xFFFFFFF8, v40;
	v2 =	vld.idx.msk [tilespmem:v5+s16+$0x0], $0xffff  }
0x1af: {  	v11 =	vor.u32 v25, v17;
	v3 =	vand.u32 $0xFFFFFFF8, v36  }
0x1b0: {  	v36 =	vor.u32 v59, v3;
	v3 =	vor.u32 v29, v44;
	_ =	sdelay $0x2  }
0x1b1: {  	v0 =	vsel vm0, v0, v2  }
0x1b2: {  	[tilespmem:v11+s19+$0x0] =	vst.idx.msk $0xffff, v0  }
0x1b3: {  	v0 =	vld.idx.msk [tilespmem:v3+s15+$0x0], $0xffff  }
0x1b4: {  	v2 =	vld.idx.msk [tilespmem:v3+s16+$0x0], $0xffff  }
0x1b5: {  	v4 =	vor.u32 v10, v42;
	_ =	sdelay $0x2  }
0x1b6: {  	v15 =	vmovc v24;
	v24 =	vmov v26;
	v26 =	vmov v8;
	v8 =	vld [tilespmem:$0x1FFE0];
	v3 =	vand.u32 $0xFFFFFFF8, v34  }
0x1b7: {  	v17 =	vld [tilespmem:$0x1FFF0];
	v40 =	vor.u32 v14, v3;
	v3 =	vor.u32 v29, v43;
	v0 =	vsel vm0, v0, v2  }
0x1b8: {  	p0 =	sne.s32 s24, $0xF0;
	[tilespmem:v4+s19+$0x0] =	vst.idx.msk $0xffff, v0;
	v0 =	vld [tilespmem:$0x1FF90]  }
.Ltmp2:
0x1b9: {  	v13 =	vmov v23;
	v23 =	vld [tilespmem:$0x1FFB0];
	(pc) =	sbr.rel @p0 .LBB2_7-.Ltmp2, $4  }
0x1ba: {  	v7 =	vmov v20;
	v20 =	vmov v27;
	v27 =	vmov v19;
	v19 =	vld [tilespmem:$0x1FFD0]  }
0x1bb: {  	v5 =	vld [tilespmem:$0x1FFC0]  }
0x1bc: {  	v6 =	vmov v41;
	v9 =	vmov v21;
	v21 =	vmov v28;
	v42 =	vld.idx.msk [tilespmem:v3+s15+$0x0], $0xffff  }
0x1bd: {  	s24 =	sadd.s32 $0x10, s24;
	v28 =	vmovc v31;
	v11 =	vmov v38;
	v38 =	vor.u32 v29, v58;
	v43 =	vld.idx.msk [tilespmem:v3+s16+$0x0], $0xffff;
	v34 =	vor.u32 v16, v0  }
0x1be: {  	_ =	sdelay $0x3  }
0x1bf: {  	v0 =	vsel vm0, v42, v43  }
0x1c0: {  	[tilespmem:v36+s19+$0x0] =	vst.idx.msk $0xffff, v0  }
0x1c1: {  	v0 =	vld.idx.msk [tilespmem:v38+s15+$0x0], $0xffff  }
0x1c2: {  	v2 =	vld.idx.msk [tilespmem:v38+s16+$0x0], $0xffff;
	_ =	sdelay $0x1  }
0x1c3: {  	v3 =	vor.u32 v29, v39;
	_ =	sdelay $0x2  }
0x1c4: {  	v0 =	vsel vm0, v0, v2  }
0x1c5: {  	[tilespmem:v40+s19+$0x0] =	vst.idx.msk $0xffff, v0  }
0x1c6: {  	v0 =	vld.idx.msk [tilespmem:v3+s15+$0x0], $0xffff  }
0x1c7: {  	v2 =	vld.idx.msk [tilespmem:v3+s16+$0x0], $0xffff;
	_ =	sdelay $0x1  }
0x1c8: {  	v3 =	vor.u32 v29, v37;
	_ =	sdelay $0x2  }
0x1c9: {  	v0 =	vsel vm0, v0, v2  }
0x1ca: {  	[tilespmem:v34+s19+$0x0] =	vst.idx.msk $0xffff, v0  }
0x1cb: {  	v0 =	vld.idx.msk [tilespmem:v3+s15+$0x0], $0xffff  }
0x1cc: {  	v2 =	vld.idx.msk [tilespmem:v3+s16+$0x0], $0xffff  }
0x1cd: {  	v3 =	vor.u32 v12, v32  }
0x1ce: {  	v4 =	vor.u32 v29, v33;
	_ =	sdelay $0x2  }
0x1cf: {  	v0 =	vsel vm0, v0, v2  }
0x1d0: {  	[tilespmem:v3+s19+$0x0] =	vst.idx.msk $0xffff, v0  }
0x1d1: {  	v0 =	vld.idx.msk [tilespmem:v4+s15+$0x0], $0xffff  }
0x1d2: {  	v2 =	vld.idx.msk [tilespmem:v4+s16+$0x0], $0xffff  }
0x1d3: {  	v3 =	vor.u32 v1, v22;
	_ =	sdelay $0x2  }
0x1d4: {  	v4 =	vor.u32 v29, v35  }
0x1d5: {  	v0 =	vsel vm0, v0, v2  }
0x1d6: {  	[tilespmem:v3+s19+$0x0] =	vst.idx.msk $0xffff, v0;
	v3 =	vld [tilespmem:$0x1FFA0];
	_ =	sdelay $0x2  }
0x1d7: {  	v0 =	vld.idx.msk [tilespmem:v4+s15+$0x0], $0xffff  }
0x1d8: {  	v2 =	vld.idx.msk [tilespmem:v4+s16+$0x0], $0xffff  }
0x1d9: {  	v3 =	vor.u32 v6, v3;
	_ =	sdelay $0x1  }
0x1da: {  	s21 =	smul.u32 $0x12, s21  }
0x1db: {  	s20 =	sadd.s32 $0x1, s20  }
0x1dc: {  	s22 =	rddreg [dreg:$0x1];
	p0 =	sne.s32 s20, $0x20;
	s21 =	sshrl.u32 s21, $0x3;
	v0 =	vsel vm0, v0, v2  }
.Ltmp3:
0x1dd: {  	s29 =	simm.s32 $0x0;
	s21 =	sadd.s32 s22, s21;
	[tilespmem:v3+s19+$0x0] =	vst.idx.msk $0xffff, v0;
	(pc) =	sbr.rel @p0 .LBB2_2-.Ltmp3, $4  }
0x1de: {  	[hbm4b:s21+s29] =	stream.linear.scatter [tilespmem:s19], [sflag:$0x2], $0x1200, $0x38;
	[tilespmem:$0x15B00] =	vst v63  }
0x1df: {  	_ =	swait.ge [sflag:s11], $0x1200  }
0x1e0: {  	[sflag:s11] =	ssyncset.done $0x0  }
0x1e1: {  	v2 =	vimm.s32 $0x0;
	v0 =	vimm.s32 $0x200;
	v3 =	vimm.s32 $0x1;
	[sflag:s11] =	ssyncadd.s32 $0xFFFFEE00  }
0x1e2: {  	s21 =	rddreg [dreg:$0x4]  }
0x1e3: {  	s20 =	rddreg [dreg:$0x3];
	s21 =	sadd.s32 $0x1, s21  }
0x1e4: {  	p0 =	sne.s32 s21, s20  }
.Ltmp4:
0x1e5: {  	_ = 	snop;
	(pc) =	sbr.rel @p0 .LBB2_1-.Ltmp4, $1  }
0x1e6: {  	_ =	sdelay $0x3  }
0x1e7: {  	_ =	sfence.sel $0x180000  }
0x1e8: {  	[bflag:$0x0] =	sbarrier.arrive $0xFFFF  }
0x1e9: {  	_ =	strace $0x90000047  }
0x1ea: {  	s0 =	stileid.u32;
	[bflag:$0x2] =	sbarrier.arrive $0xFFFF  }
0x1eb: {  	p0 =	sne.s32 s0, $0x0;
	s0 =	rddreg [dreg:$0x2]  }
0x1ec: {  	s0 =	sadd.s32 @!p0 $0x100000, s0  }
0x1ed: {  	[sflag:s0] =	ssyncadd.tile.s32 @!p0 $0x1;
	_ =	shalt  }
.Lfunc_end2:
_tile_overlayer_lowered:
.L_overlay_start_2:
0x1ee: {  	(tag) =	ssettag $0x2  }
0x1ef: {  	s0 =	rddreg [dreg:$0x0];
	s2 =	stileid.u32  }
0x1f0: {  	s1 =	rddreg [dreg:$0x1];
	p0 =	sne.s32 s2, $0x0  }
0x1f1: {  	s3 =	rddreg [dreg:$0x2];
	[bflag:$0x3] =	sbarrier.arrive $0xFFFF;
	s2 =	simm.s32 @!p0 $0x1C02  }
0x1f2: {  	[timem:s3], [sflag:s2] =	dma.local @!p0 [hbm:s0], s1  }
0x1f3: {  	s0 =	simm.s32 @!p0 $0x2  }
0x1f4: {  	_ =	swait.ge @!p0 [sflag:s0], s1  }
0x1f5: {  	s1 =	ssub.s32 @!p0 $0x0, s1;
	[sflag:s0] =	ssyncset.done @!p0 $0x0  }
0x1f6: {  	[sflag:s0] =	ssyncadd.s32 @!p0 s1  }
0x1f7: {  	[bflag:$0x3] =	sbarrier.arrive $0xFFFF  }
0x1f8: {  	_ =	shalt  }

</sc_bundles>
